<compile_context>
chip_gen: v7x
topology: tpu7x:2x2x1
jax: 0.10.2.dev20260603
libtpu: 0.0.44.dev20260713+nightly
codegen_flags: <defaults>
</compile_context>

<pallas_src>
import dataclasses
import functools

import jax
import jax.numpy as jnp
from jax import lax
from jax.experimental import pallas as pl
from jax.experimental.pallas import tpu as pltpu
from jax.experimental.pallas import tpu_sc as plsc

NUM_CORES = 2
NUM_SUBCORES = 16
NUM_WORKERS = NUM_CORES * NUM_SUBCORES
CHUNK = 128
ZROWS = 64


def _ceil_to(x, m):
    return (x + m - 1) // m * m




def _l1_body(x_ref, w_ref, b_ref, p_ref, r_ref):
    acc = jnp.dot(x_ref[...], w_ref[...], preferred_element_type=jnp.float32)
    d = p_ref.shape[2]
    p_ref[0] = acc[:, :d]
    p_ref[1] = acc[:, d:2 * d]
    r_ref[...] = acc[:, 2 * d:] + b_ref[...]


def _l2_body(agg_ref, deg_ref, r1_ref, w_ref, b_ref, p2_ref, r2_ref):
    deg = jnp.maximum(jnp.sum(deg_ref[...], axis=0), 1.0)[:, None]
    agg = jnp.concatenate([agg_ref[0], agg_ref[1]], axis=1)
    h = jnp.maximum(agg / deg + r1_ref[...], 0.0)
    acc = jnp.dot(h, w_ref[...], preferred_element_type=jnp.float32)
    d = p2_ref.shape[1]
    p2_ref[...] = acc[:, :d]
    r2_ref[...] = acc[:, d:] + b_ref[...]


def _head_body(agg2_ref, deg_ref, r2_ref, w_ref, b_ref, o_ref):
    deg = jnp.maximum(jnp.sum(deg_ref[...], axis=0), 1.0)[:, None]
    h2 = (agg2_ref[0] + agg2_ref[1]) / deg + r2_ref[...]
    o = jnp.dot(h2, w_ref[...], preferred_element_type=jnp.float32) + b_ref[...]
    o_ref[...] = jnp.where(o >= 0, o, 0.01 * o)


def _row_spec(bm, cols):
    return pl.BlockSpec((bm, cols), lambda i: (i, 0))


def _stk_spec(bm, cols):
    return pl.BlockSpec((2, bm, cols), lambda i: (0, i, 0))


def _deg_spec(bm):
    return pl.BlockSpec((NUM_WORKERS, bm), lambda i: (0, i))


def _full_spec(shape):
    nd = len(shape)
    return pl.BlockSpec(shape, lambda i, nd=nd: (0,) * nd)




def _edge_pass_pipelined(p_ref, src_v, dst_v, rows0, rows1, acc_sh,
                         gs0, gs1, ss0, ss1, n_chunks):

    def g(j, buf, sem):
        pltpu.async_copy(p_ref.at[src_v.at[j]], buf, sem)

    def gw(buf, sem):
        pltpu.make_async_copy(p_ref.at[src_v.at[0]], buf, sem).wait()

    def sct(j, buf, sem):
        pltpu.async_copy(buf, acc_sh.at[dst_v.at[j]], sem, add=True)

    def sw(buf, sem):
        pltpu.make_async_copy(buf, acc_sh.at[dst_v.at[0]], sem).wait()

    g(0, rows0, gs0)
    g(1, rows1, gs1)

    @pl.loop(0, n_chunks // 2 - 1)
    def _(t):
        j = 2 * t
        gw(rows0, gs0)
        sct(j, rows0, ss0)
        gw(rows1, gs1)
        sct(j + 1, rows1, ss1)
        sw(rows0, ss0)
        g(j + 2, rows0, gs0)
        sw(rows1, ss1)
        g(j + 3, rows1, gs1)

    gw(rows0, gs0)
    sct(n_chunks - 2, rows0, ss0)
    gw(rows1, gs1)
    sct(n_chunks - 1, rows1, ss1)
    sw(rows0, ss0)
    sw(rows1, ss1)


def _make_sc_deg(n_pad, n_chunks):
    mesh = plsc.VectorSubcoreMesh(core_axis_name="c", subcore_axis_name="s")
    f32 = jnp.float32

    cp = pltpu.CompilerParams()
    if "needs_layout_passes" in pltpu.CompilerParams.__dataclass_fields__:
        cp = dataclasses.replace(cp, needs_layout_passes=False)

    @functools.partial(
        pl.kernel,
        mesh=mesh,
        compiler_params=cp,
        out_type=[
            jax.ShapeDtypeStruct((NUM_WORKERS, n_pad), f32),
        ],
        scratch_types=[
            pltpu.VMEM((n_chunks, CHUNK), jnp.int32),
            pltpu.VMEM((n_pad,), f32),
        ],
    )
    def sc_kernel(dst_hbm, deg_hbm, dst_v, hist_v):
        c = lax.axis_index("c")
        s = lax.axis_index("s")
        wid = c * NUM_SUBCORES + s

        @pl.loop(0, n_pad // 16)
        def _(i):
            hist_v[pl.ds(i * 16, 16)] = jnp.zeros((16,), f32)

        pltpu.sync_copy(dst_hbm.at[wid], dst_v)

        @pl.loop(0, n_chunks)
        def _(j):
            for k in range(CHUNK // 16):
                idx = dst_v[j, pl.ds(k * 16, 16)]
                plsc.addupdate_scatter(hist_v, [idx], jnp.ones((16,), f32))

        pltpu.sync_copy(hist_v, deg_hbm.at[wid])

    return sc_kernel


def _make_sc_layer1(n_pad, n_chunks, d_half, dtype=jnp.float32):
    rows_per_tile = n_pad // NUM_SUBCORES
    mesh = plsc.VectorSubcoreMesh(core_axis_name="c", subcore_axis_name="s")
    f32 = jnp.float32

    @functools.partial(
        pl.kernel,
        mesh=mesh,
        out_type=[
            jax.ShapeDtypeStruct((NUM_CORES, n_pad, d_half), dtype),
        ],
        scratch_types=[
            pltpu.VMEM((n_chunks, CHUNK), jnp.int32),
            pltpu.VMEM((n_chunks, CHUNK), jnp.int32),
            pltpu.VMEM((CHUNK, d_half), dtype),
            pltpu.VMEM((CHUNK, d_half), dtype),
            pltpu.VMEM_SHARED((n_pad, d_half), dtype),
            pltpu.SemaphoreType.DMA,
            pltpu.SemaphoreType.DMA,
            pltpu.SemaphoreType.DMA,
            pltpu.SemaphoreType.DMA,
        ],
    )
    def sc_kernel(p_hbm, src_hbm, dst_hbm, zeros_hbm, agg_hbm,
                  src_v, dst_v, rows0, rows1, acc_sh, gs0, gs1, ss0, ss1):
        c = lax.axis_index("c")
        s = lax.axis_index("s")

        rsl = pl.ds(s * rows_per_tile, rows_per_tile)
        pltpu.sync_copy(zeros_hbm, acc_sh.at[rsl])

        plsc.subcore_barrier()

        p_c = p_hbm.at[c]
        for rr in range(2):
            row = s * 2 + rr
            pltpu.sync_copy(src_hbm.at[row], src_v)
            pltpu.sync_copy(dst_hbm.at[row], dst_v)
            _edge_pass_pipelined(p_c, src_v, dst_v, rows0, rows1, acc_sh,
                                 gs0, gs1, ss0, ss1, n_chunks)

        plsc.subcore_barrier()

        pltpu.sync_copy(acc_sh.at[rsl], agg_hbm.at[c].at[rsl])

    return sc_kernel


def _make_sc_layer2(n_pad, n_chunks, d, dtype=jnp.float32):
    rows_per_tile = n_pad // NUM_SUBCORES
    mesh = plsc.VectorSubcoreMesh(core_axis_name="c", subcore_axis_name="s")
    f32 = jnp.float32

    @functools.partial(
        pl.kernel,
        mesh=mesh,
        out_type=[
            jax.ShapeDtypeStruct((NUM_CORES, n_pad, d), dtype),
        ],
        scratch_types=[
            pltpu.VMEM((n_chunks, CHUNK), jnp.int32),
            pltpu.VMEM((n_chunks, CHUNK), jnp.int32),
            pltpu.VMEM((CHUNK, d), dtype),
            pltpu.VMEM((CHUNK, d), dtype),
            pltpu.VMEM_SHARED((n_pad, d), dtype),
            pltpu.SemaphoreType.DMA,
            pltpu.SemaphoreType.DMA,
            pltpu.SemaphoreType.DMA,
            pltpu.SemaphoreType.DMA,
        ],
    )
    def sc_kernel(p_hbm, src_hbm, dst_hbm, zeros_hbm, out_hbm,
                  src_v, dst_v, rows0, rows1, acc_sh, gs0, gs1, ss0, ss1):
        c = lax.axis_index("c")
        s = lax.axis_index("s")
        wid = c * NUM_SUBCORES + s

        rsl = pl.ds(s * rows_per_tile, rows_per_tile)
        pltpu.sync_copy(zeros_hbm, acc_sh.at[rsl])

        plsc.subcore_barrier()

        pltpu.sync_copy(src_hbm.at[wid], src_v)
        pltpu.sync_copy(dst_hbm.at[wid], dst_v)
        _edge_pass_pipelined(p_hbm, src_v, dst_v, rows0, rows1, acc_sh,
                             gs0, gs1, ss0, ss1, n_chunks)

        plsc.subcore_barrier()

        pltpu.sync_copy(acc_sh.at[rsl], out_hbm.at[c].at[rsl])

    return sc_kernel




def kernel(x, edge_index, W1_l, W1_r, b1, W2_l, W2_r, b2, Wfc, bfc):
    n, d_in = x.shape
    e = edge_index.shape[1]
    d_hid = W1_l.shape[1]
    d_out = W2_l.shape[1]
    f32 = jnp.float32

    n_pad = _ceil_to(n + 1, NUM_SUBCORES * ZROWS)
    e_pad = _ceil_to(e, NUM_WORKERS * CHUNK)
    n_chunks = e_pad // (NUM_WORKERS * CHUNK)
    bm = 512
    grid_m = n_pad // bm
    d_half = d_hid // 2

    x_p = jnp.pad(x.astype(f32), ((0, n_pad - n), (0, 0)))
    src = edge_index[0].astype(jnp.int32)
    dst = edge_index[1].astype(jnp.int32)
    pad_e = e_pad - e
    n_scratch = max(n_pad - n, 1)
    pad_i = jnp.arange(pad_e, dtype=jnp.int32)
    src = jnp.concatenate([src, pad_i % jnp.int32(n)])
    dst = jnp.concatenate([dst, (n_pad - n_scratch) + pad_i % jnp.int32(n_scratch)])
    src = src.reshape(NUM_WORKERS, n_chunks, CHUNK)
    dst = dst.reshape(NUM_WORKERS, n_chunks, CHUNK)

    w1 = jnp.concatenate([W1_l, W1_r], axis=1)
    b1_2d = b1.reshape(1, d_hid)
    w2 = jnp.concatenate([W2_l, W2_r], axis=1)
    b2_2d = b2.reshape(1, d_out)
    wfc_p = jnp.pad(Wfc, ((0, 0), (0, d_out - Wfc.shape[1])))
    bfc_p = jnp.pad(bfc, (0, d_out - bfc.shape[0])).reshape(1, d_out)

    rows_per_tile = n_pad // NUM_SUBCORES
    zeros_h = jnp.zeros((rows_per_tile, d_half), f32)

    scd = _make_sc_deg(n_pad, n_chunks)
    (deg,) = scd(dst)

    p1, r1 = pl.pallas_call(
        _l1_body,
        grid=(grid_m,),
        in_specs=[_row_spec(bm, d_in), _full_spec(w1.shape),
                  _full_spec(b1_2d.shape)],
        out_specs=[_stk_spec(bm, d_half), _row_spec(bm, d_hid)],
        out_shape=[jax.ShapeDtypeStruct((NUM_CORES, n_pad, d_half), f32),
                   jax.ShapeDtypeStruct((n_pad, d_hid), f32)],
    )(x_p, w1, b1_2d)

    sc1 = _make_sc_layer1(n_pad, n_chunks, d_half)
    (agg1,) = sc1(p1, src, dst, zeros_h)

    p2, r2 = pl.pallas_call(
        _l2_body,
        grid=(grid_m,),
        in_specs=[_stk_spec(bm, d_half), _deg_spec(bm),
                  _row_spec(bm, d_hid), _full_spec(w2.shape),
                  _full_spec(b2_2d.shape)],
        out_specs=[_row_spec(bm, d_out), _row_spec(bm, d_out)],
        out_shape=[jax.ShapeDtypeStruct((n_pad, d_out), f32),
                   jax.ShapeDtypeStruct((n_pad, d_out), f32)],
    )(agg1, deg, r1, w2, b2_2d)

    sc2 = _make_sc_layer2(n_pad, n_chunks, d_out)
    (agg2,) = sc2(p2, src, dst, zeros_h)

    out_p = pl.pallas_call(
        _head_body,
        grid=(grid_m,),
        in_specs=[_stk_spec(bm, d_out), _deg_spec(bm),
                  _row_spec(bm, d_out), _full_spec(wfc_p.shape),
                  _full_spec(bfc_p.shape)],
        out_specs=_row_spec(bm, d_out),
        out_shape=jax.ShapeDtypeStruct((n_pad, d_out), f32),
    )(agg2, deg, r2, wfc_p, bfc_p)

    return out_p[:n, :Wfc.shape[1]]

# --- scband reference (transcript-rebuilt; emitter-appended) ---
"""Pipeline reference for scband-graph-sageregression-69183333204267 (READ-ONLY COPY).

The authoritative reference and input builder live on the scoring server;
editing this copy changes nothing except your own understanding.
"""

import jax, jax.numpy as jnp
import numpy as np

N = 10000
E = 160000
D_IN = 256
D_HID = 256
D_OUT = 128


def setup_inputs(seed: int = 0) -> dict:
    key = jax.random.key(seed)
    ks = jax.random.split(key, 12)
    x = jax.random.normal(ks[0], (N, D_IN), dtype=jnp.float32)
    edge_index = jax.random.randint(ks[1], (2, E), 0, N, dtype=jnp.int64)
    # SAGEConv1 params (PyG style: lin_l applied to aggregated neighbors w/ bias, lin_r to root)
    W1_l = jax.random.normal(ks[2], (D_IN, D_HID), dtype=jnp.float32) / np.sqrt(D_IN)
    W1_r = jax.random.normal(ks[3], (D_IN, D_HID), dtype=jnp.float32) / np.sqrt(D_IN)
    b1 = jnp.zeros((D_HID,), dtype=jnp.float32)
    # SAGEConv2 params
    W2_l = jax.random.normal(ks[4], (D_HID, D_OUT), dtype=jnp.float32) / np.sqrt(D_HID)
    W2_r = jax.random.normal(ks[5], (D_HID, D_OUT), dtype=jnp.float32) / np.sqrt(D_HID)
    b2 = jnp.zeros((D_OUT,), dtype=jnp.float32)
    # final fc: output_dim -> 2
    Wfc = jax.random.normal(ks[6], (D_OUT, 2), dtype=jnp.float32) / np.sqrt(D_OUT)
    bfc = jnp.zeros((2,), dtype=jnp.float32)
    return {"x": x, "edge_index": edge_index,
            "W1_l": W1_l, "W1_r": W1_r, "b1": b1,
            "W2_l": W2_l, "W2_r": W2_r, "b2": b2,
            "Wfc": Wfc, "bfc": bfc}


def _sage_conv(x, src, dst, Wl, Wr, b, num_nodes):
    # message = x[src]; mean-aggregate into dst; out = lin_l(mean_agg) + lin_r(x) + bias
    msgs = jnp.take(x, src, axis=0)
    agg = jax.ops.segment_sum(msgs, dst, num_segments=num_nodes)
    deg = jax.ops.segment_sum(jnp.ones((src.shape[0],), dtype=x.dtype), dst,
                              num_segments=num_nodes)
    mean_agg = agg / jnp.clip(deg, 1.0, None)[:, None]
    return mean_agg @ Wl + x @ Wr + b


def reference(x, edge_index, W1_l, W1_r, b1, W2_l, W2_r, b2, Wfc, bfc):
    num_nodes = x.shape[0]
    src = edge_index[0]
    dst = edge_index[1]
    h = _sage_conv(x, src, dst, W1_l, W1_r, b1, num_nodes)
    h = jax.nn.relu(h)
    # dropout is identity in eval / deterministic reference
    h = _sage_conv(h, src, dst, W2_l, W2_r, b2, num_nodes)
    out = h @ Wfc + bfc
    out = jnp.where(out >= 0, out, 0.01 * out)  # leaky_relu, default slope 0.01
    return out

if __name__ == "__main__":
    import jax
    _d = setup_inputs()
    print(jax.jit(kernel)(*tuple(_d.values())))

</pallas_src>

<mosaic_0001>
#map = affine_map<(d0, d1) -> (0, 0, 0)>
#map1 = affine_map<(d0, d1) -> (0, 0)>
module attributes {stable_mosaic.version = 14 : i64} {
  func.func @sc_kernel(%arg0: i32, %arg1: i32, %arg2: memref<2x10240x128xf32, #tpu.memory_space<hbm>>, %arg3: memref<32x40x128xi32, #tpu.memory_space<hbm>>, %arg4: memref<32x40x128xi32, #tpu.memory_space<hbm>>, %arg5: memref<640x128xf32, #tpu.memory_space<hbm>>, %arg6: memref<2x10240x128xf32, #tpu.memory_space<hbm>>, %arg7: memref<40x128xi32, #tpu.memory_space<vmem>>, %arg8: memref<40x128xi32, #tpu.memory_space<vmem>>, %arg9: memref<128x128xf32, #tpu.memory_space<vmem>>, %arg10: memref<128x128xf32, #tpu.memory_space<vmem>>, %arg11: memref<10240x128xf32, #tpu.memory_space<vmem_shared>>, %arg12: memref<!tpu.dma_semaphore, #tpu.memory_space<semaphore_mem>>, %arg13: memref<!tpu.dma_semaphore, #tpu.memory_space<semaphore_mem>>, %arg14: memref<!tpu.dma_semaphore, #tpu.memory_space<semaphore_mem>>, %arg15: memref<!tpu.dma_semaphore, #tpu.memory_space<semaphore_mem>>) attributes {dimension_semantics = [#tpu.dimension_semantics<core_parallel>, #tpu.dimension_semantics<subcore_parallel>], iteration_bounds = array<i64: 2, 16>, scalar_prefetch = 0 : i64, scratch_operands = 9 : i64, tpu.core_type = #tpu.core_type<sc_vector_subcore>, window_params = [{transform_indices = #map}, {transform_indices = #map}, {transform_indices = #map}, {transform_indices = #map1}, {transform_indices = #map}]} {
    %mul3A = arith.constant 640 : i32
    %mul3A_0 = arith.muli %arg1, %mul3A : i32
    "tpu.region"() ({
      %run_scoped3A = tpu.sem_alloc : memref<!tpu.dma_semaphore, #tpu.memory_space<semaphore_mem>>
      %dma_start3A_160 = arith.constant 0 : i32
      %dma_start3A_161 = tpu.memref_slice %arg11[%mul3A_0, %dma_start3A_160] : memref<10240x128xf32, #tpu.memory_space<vmem_shared>> -> memref<640x128xf32, #tpu.memory_space<vmem_shared>>
      tpu.enqueue_dma source(%arg5 : memref<640x128xf32, #tpu.memory_space<hbm>>) target(%dma_start3A_161 : memref<640x128xf32, #tpu.memory_space<vmem_shared>>) target_semaphore(%run_scoped3A : memref<!tpu.dma_semaphore, #tpu.memory_space<semaphore_mem>>)
      %dma_wait3A_162 = arith.constant 0 : i32
      %dma_wait3A_163 = tpu.memref_slice %arg11[%mul3A_0, %dma_wait3A_162] : memref<10240x128xf32, #tpu.memory_space<vmem_shared>> -> memref<640x128xf32, #tpu.memory_space<vmem_shared>>
      tpu.wait_dma2 semaphore(%run_scoped3A : memref<!tpu.dma_semaphore, #tpu.memory_space<semaphore_mem>>) src(%arg5 : memref<640x128xf32, #tpu.memory_space<hbm>>) dst(%dma_wait3A_163 : memref<640x128xf32, #tpu.memory_space<vmem_shared>>)
      tpu.yield
    }) : () -> ()
    %barrier3A = arith.constant 0 : index
    tpu.barrier barrier_id(%barrier3A)
    %mul3A_1 = arith.constant 2 : i32
    %mul3A_2 = arith.muli %arg1, %mul3A_1 : i32
    %add3A = arith.constant 0 : i32
    %add3A_3 = arith.addi %mul3A_2, %add3A : i32
    "tpu.region"() ({
      %run_scoped3A = tpu.sem_alloc : memref<!tpu.dma_semaphore, #tpu.memory_space<semaphore_mem>>
      %dma_start3A_160 = arith.constant 0 : i32
      %dma_start3A_161 = arith.constant 0 : i32
      %dma_start3A_162 = tpu.memref_slice %arg3[%add3A_3, %dma_start3A_160, %dma_start3A_161] : memref<32x40x128xi32, #tpu.memory_space<hbm>> -> memref<1x40x128xi32, #tpu.memory_space<hbm>>
      %dma_start3A_163 = tpu.memref_squeeze %dma_start3A_162 : memref<1x40x128xi32, #tpu.memory_space<hbm>> -> memref<40x128xi32, #tpu.memory_space<hbm>>
      %dma_start3A_164 = arith.constant 0 : i32
      %dma_start3A_165 = arith.constant 0 : i32
      %dma_start3A_166 = tpu.memref_slice %arg3[%add3A_3, %dma_start3A_164, %dma_start3A_165] : memref<32x40x128xi32, #tpu.memory_space<hbm>> -> memref<1x40x128xi32, #tpu.memory_space<hbm>>
      %dma_start3A_167 = tpu.memref_squeeze %dma_start3A_166 : memref<1x40x128xi32, #tpu.memory_space<hbm>> -> memref<40x128xi32, #tpu.memory_space<hbm>>
      tpu.enqueue_dma source(%dma_start3A_167 : memref<40x128xi32, #tpu.memory_space<hbm>>) target(%arg7 : memref<40x128xi32, #tpu.memory_space<vmem>>) target_semaphore(%run_scoped3A : memref<!tpu.dma_semaphore, #tpu.memory_space<semaphore_mem>>)
      %dma_wait3A_168 = arith.constant 0 : i32
      %dma_wait3A_169 = arith.constant 0 : i32
      %dma_wait3A_170 = tpu.memref_slice %arg3[%add3A_3, %dma_wait3A_168, %dma_wait3A_169] : memref<32x40x128xi32, #tpu.memory_space<hbm>> -> memref<1x40x128xi32, #tpu.memory_space<hbm>>
      %dma_wait3A_171 = tpu.memref_squeeze %dma_wait3A_170 : memref<1x40x128xi32, #tpu.memory_space<hbm>> -> memref<40x128xi32, #tpu.memory_space<hbm>>
      %dma_wait3A_172 = arith.constant 0 : i32
      %dma_wait3A_173 = arith.constant 0 : i32
      %dma_wait3A_174 = tpu.memref_slice %arg3[%add3A_3, %dma_wait3A_172, %dma_wait3A_173] : memref<32x40x128xi32, #tpu.memory_space<hbm>> -> memref<1x40x128xi32, #tpu.memory_space<hbm>>
      %dma_wait3A_175 = tpu.memref_squeeze %dma_wait3A_174 : memref<1x40x128xi32, #tpu.memory_space<hbm>> -> memref<40x128xi32, #tpu.memory_space<hbm>>
      tpu.wait_dma2 semaphore(%run_scoped3A : memref<!tpu.dma_semaphore, #tpu.memory_space<semaphore_mem>>) src(%dma_wait3A_175 : memref<40x128xi32, #tpu.memory_space<hbm>>) dst(%arg7 : memref<40x128xi32, #tpu.memory_space<vmem>>)
      tpu.yield
    }) : () -> ()
    "tpu.region"() ({
      %run_scoped3A = tpu.sem_alloc : memref<!tpu.dma_semaphore, #tpu.memory_space<semaphore_mem>>
      %dma_start3A_160 = arith.constant 0 : i32
      %dma_start3A_161 = arith.constant 0 : i32
      %dma_start3A_162 = tpu.memref_slice %arg4[%add3A_3, %dma_start3A_160, %dma_start3A_161] : memref<32x40x128xi32, #tpu.memory_space<hbm>> -> memref<1x40x128xi32, #tpu.memory_space<hbm>>
      %dma_start3A_163 = tpu.memref_squeeze %dma_start3A_162 : memref<1x40x128xi32, #tpu.memory_space<hbm>> -> memref<40x128xi32, #tpu.memory_space<hbm>>
      %dma_start3A_164 = arith.constant 0 : i32
      %dma_start3A_165 = arith.constant 0 : i32
      %dma_start3A_166 = tpu.memref_slice %arg4[%add3A_3, %dma_start3A_164, %dma_start3A_165] : memref<32x40x128xi32, #tpu.memory_space<hbm>> -> memref<1x40x128xi32, #tpu.memory_space<hbm>>
      %dma_start3A_167 = tpu.memref_squeeze %dma_start3A_166 : memref<1x40x128xi32, #tpu.memory_space<hbm>> -> memref<40x128xi32, #tpu.memory_space<hbm>>
      tpu.enqueue_dma source(%dma_start3A_167 : memref<40x128xi32, #tpu.memory_space<hbm>>) target(%arg8 : memref<40x128xi32, #tpu.memory_space<vmem>>) target_semaphore(%run_scoped3A : memref<!tpu.dma_semaphore, #tpu.memory_space<semaphore_mem>>)
      %dma_wait3A_168 = arith.constant 0 : i32
      %dma_wait3A_169 = arith.constant 0 : i32
      %dma_wait3A_170 = tpu.memref_slice %arg4[%add3A_3, %dma_wait3A_168, %dma_wait3A_169] : memref<32x40x128xi32, #tpu.memory_space<hbm>> -> memref<1x40x128xi32, #tpu.memory_space<hbm>>
      %dma_wait3A_171 = tpu.memref_squeeze %dma_wait3A_170 : memref<1x40x128xi32, #tpu.memory_space<hbm>> -> memref<40x128xi32, #tpu.memory_space<hbm>>
      %dma_wait3A_172 = arith.constant 0 : i32
      %dma_wait3A_173 = arith.constant 0 : i32
      %dma_wait3A_174 = tpu.memref_slice %arg4[%add3A_3, %dma_wait3A_172, %dma_wait3A_173] : memref<32x40x128xi32, #tpu.memory_space<hbm>> -> memref<1x40x128xi32, #tpu.memory_space<hbm>>
      %dma_wait3A_175 = tpu.memref_squeeze %dma_wait3A_174 : memref<1x40x128xi32, #tpu.memory_space<hbm>> -> memref<40x128xi32, #tpu.memory_space<hbm>>
      tpu.wait_dma2 semaphore(%run_scoped3A : memref<!tpu.dma_semaphore, #tpu.memory_space<semaphore_mem>>) src(%dma_wait3A_175 : memref<40x128xi32, #tpu.memory_space<hbm>>) dst(%arg8 : memref<40x128xi32, #tpu.memory_space<vmem>>)
      tpu.yield
    }) : () -> ()
    %dma_start3A = arith.constant 0 : i32
    %dma_start3A_4 = arith.constant 0 : i32
    %dma_start3A_5 = tpu.memref_slice %arg7[%dma_start3A, %dma_start3A_4] : memref<40x128xi32, #tpu.memory_space<vmem>> -> memref<1x128xi32, #tpu.memory_space<vmem>>
    %dma_start3A_6 = tpu.memref_squeeze %dma_start3A_5 : memref<1x128xi32, #tpu.memory_space<vmem>> -> memref<128xi32, #tpu.memory_space<vmem>>
    %dma_start3A_7 = arith.constant 0 : i32
    %dma_start3A_8 = arith.constant 0 : i32
    %dma_start3A_9 = tpu.memref_slice %arg2[%arg0, %dma_start3A_7, %dma_start3A_8] : memref<2x10240x128xf32, #tpu.memory_space<hbm>> -> memref<1x10240x128xf32, #tpu.memory_space<hbm>>
    %dma_start3A_10 = tpu.memref_squeeze %dma_start3A_9 : memref<1x10240x128xf32, #tpu.memory_space<hbm>> -> memref<10240x128xf32, #tpu.memory_space<hbm>>
    %dma_start3A_11 = arith.constant 0 : i32
    %dma_start3A_12 = arith.constant 0 : i32
    %dma_start3A_13 = tpu.memref_slice %dma_start3A_10[%dma_start3A_11, %dma_start3A_12] : memref<10240x128xf32, #tpu.memory_space<hbm>> -> memref<10240x128xf32, #tpu.memory_space<hbm>>
    tpu.enqueue_indirect_dma source(%dma_start3A_13 : memref<10240x128xf32, #tpu.memory_space<hbm>>) target(%arg9 : memref<128x128xf32, #tpu.memory_space<vmem>>) offsets(%dma_start3A_6 : memref<128xi32, #tpu.memory_space<vmem>>) semaphore(%arg12 : memref<!tpu.dma_semaphore, #tpu.memory_space<semaphore_mem>>)
    %dma_start3A_14 = arith.constant 1 : i32
    %dma_start3A_15 = arith.constant 0 : i32
    %dma_start3A_16 = tpu.memref_slice %arg7[%dma_start3A_14, %dma_start3A_15] : memref<40x128xi32, #tpu.memory_space<vmem>> -> memref<1x128xi32, #tpu.memory_space<vmem>>
    %dma_start3A_17 = tpu.memref_squeeze %dma_start3A_16 : memref<1x128xi32, #tpu.memory_space<vmem>> -> memref<128xi32, #tpu.memory_space<vmem>>
    %dma_start3A_18 = arith.constant 0 : i32
    %dma_start3A_19 = arith.constant 0 : i32
    %dma_start3A_20 = tpu.memref_slice %arg2[%arg0, %dma_start3A_18, %dma_start3A_19] : memref<2x10240x128xf32, #tpu.memory_space<hbm>> -> memref<1x10240x128xf32, #tpu.memory_space<hbm>>
    %dma_start3A_21 = tpu.memref_squeeze %dma_start3A_20 : memref<1x10240x128xf32, #tpu.memory_space<hbm>> -> memref<10240x128xf32, #tpu.memory_space<hbm>>
    %dma_start3A_22 = arith.constant 0 : i32
    %dma_start3A_23 = arith.constant 0 : i32
    %dma_start3A_24 = tpu.memref_slice %dma_start3A_21[%dma_start3A_22, %dma_start3A_23] : memref<10240x128xf32, #tpu.memory_space<hbm>> -> memref<10240x128xf32, #tpu.memory_space<hbm>>
    tpu.enqueue_indirect_dma source(%dma_start3A_24 : memref<10240x128xf32, #tpu.memory_space<hbm>>) target(%arg10 : memref<128x128xf32, #tpu.memory_space<vmem>>) offsets(%dma_start3A_17 : memref<128xi32, #tpu.memory_space<vmem>>) semaphore(%arg13 : memref<!tpu.dma_semaphore, #tpu.memory_space<semaphore_mem>>)
    %scan3A = arith.constant 0 : i32
    %scan3A_25 = arith.constant 19 : i32
    %scan3A_26 = arith.addi %scan3A, %scan3A_25 : i32
    %scan3A_27 = arith.constant 1 : i32
    scf.for %scan3A_160 = %scan3A to %scan3A_26 step %scan3A_27  : i32 {
      %mul3A_161 = arith.constant 1 : i32
      %mul3A_162 = arith.muli %scan3A_160, %mul3A_161 : i32
      %add3A_163 = arith.constant 0 : i32
      %add3A_164 = arith.addi %add3A_163, %mul3A_162 : i32
      %mul3A_165 = arith.constant 2 : i32
      %mul3A_166 = arith.muli %mul3A_165, %add3A_164 : i32
      %dma_wait3A_167 = arith.constant 0 : i32
      %dma_wait3A_168 = arith.constant 0 : i32
      %dma_wait3A_169 = tpu.memref_slice %arg7[%dma_wait3A_167, %dma_wait3A_168] : memref<40x128xi32, #tpu.memory_space<vmem>> -> memref<1x128xi32, #tpu.memory_space<vmem>>
      %dma_wait3A_170 = tpu.memref_squeeze %dma_wait3A_169 : memref<1x128xi32, #tpu.memory_space<vmem>> -> memref<128xi32, #tpu.memory_space<vmem>>
      %dma_wait3A_171 = arith.constant 0 : i32
      %dma_wait3A_172 = arith.constant 0 : i32
      %dma_wait3A_173 = tpu.memref_slice %arg2[%arg0, %dma_wait3A_171, %dma_wait3A_172] : memref<2x10240x128xf32, #tpu.memory_space<hbm>> -> memref<1x10240x128xf32, #tpu.memory_space<hbm>>
      %dma_wait3A_174 = tpu.memref_squeeze %dma_wait3A_173 : memref<1x10240x128xf32, #tpu.memory_space<hbm>> -> memref<10240x128xf32, #tpu.memory_space<hbm>>
      %dma_wait3A_175 = arith.constant 0 : i32
      %dma_wait3A_176 = arith.constant 0 : i32
      %dma_wait3A_177 = tpu.memref_slice %dma_wait3A_174[%dma_wait3A_175, %dma_wait3A_176] : memref<10240x128xf32, #tpu.memory_space<hbm>> -> memref<10240x128xf32, #tpu.memory_space<hbm>>
      tpu.wait_indirect_dma semaphore(%arg12 : memref<!tpu.dma_semaphore, #tpu.memory_space<semaphore_mem>>) src(%dma_wait3A_177 : memref<10240x128xf32, #tpu.memory_space<hbm>>) dst(%arg9 : memref<128x128xf32, #tpu.memory_space<vmem>>)
      %dma_start3A_178 = arith.constant 0 : i32
      %dma_start3A_179 = tpu.memref_slice %arg8[%mul3A_166, %dma_start3A_178] : memref<40x128xi32, #tpu.memory_space<vmem>> -> memref<1x128xi32, #tpu.memory_space<vmem>>
      %dma_start3A_180 = tpu.memref_squeeze %dma_start3A_179 : memref<1x128xi32, #tpu.memory_space<vmem>> -> memref<128xi32, #tpu.memory_space<vmem>>
      %dma_start3A_181 = arith.constant 0 : i32
      %dma_start3A_182 = arith.constant 0 : i32
      %dma_start3A_183 = tpu.memref_slice %arg11[%dma_start3A_181, %dma_start3A_182] : memref<10240x128xf32, #tpu.memory_space<vmem_shared>> -> memref<10240x128xf32, #tpu.memory_space<vmem_shared>>
      tpu.enqueue_indirect_dma source(%arg9 : memref<128x128xf32, #tpu.memory_space<vmem>>) target(%dma_start3A_183 : memref<10240x128xf32, #tpu.memory_space<vmem_shared>>) offsets(%dma_start3A_180 : memref<128xi32, #tpu.memory_space<vmem>>) semaphore(%arg14 : memref<!tpu.dma_semaphore, #tpu.memory_space<semaphore_mem>>) {add = true}
      %dma_wait3A_184 = arith.constant 0 : i32
      %dma_wait3A_185 = arith.constant 0 : i32
      %dma_wait3A_186 = tpu.memref_slice %arg7[%dma_wait3A_184, %dma_wait3A_185] : memref<40x128xi32, #tpu.memory_space<vmem>> -> memref<1x128xi32, #tpu.memory_space<vmem>>
      %dma_wait3A_187 = tpu.memref_squeeze %dma_wait3A_186 : memref<1x128xi32, #tpu.memory_space<vmem>> -> memref<128xi32, #tpu.memory_space<vmem>>
      %dma_wait3A_188 = arith.constant 0 : i32
      %dma_wait3A_189 = arith.constant 0 : i32
      %dma_wait3A_190 = tpu.memref_slice %arg2[%arg0, %dma_wait3A_188, %dma_wait3A_189] : memref<2x10240x128xf32, #tpu.memory_space<hbm>> -> memref<1x10240x128xf32, #tpu.memory_space<hbm>>
      %dma_wait3A_191 = tpu.memref_squeeze %dma_wait3A_190 : memref<1x10240x128xf32, #tpu.memory_space<hbm>> -> memref<10240x128xf32, #tpu.memory_space<hbm>>
      %dma_wait3A_192 = arith.constant 0 : i32
      %dma_wait3A_193 = arith.constant 0 : i32
      %dma_wait3A_194 = tpu.memref_slice %dma_wait3A_191[%dma_wait3A_192, %dma_wait3A_193] : memref<10240x128xf32, #tpu.memory_space<hbm>> -> memref<10240x128xf32, #tpu.memory_space<hbm>>
      tpu.wait_indirect_dma semaphore(%arg13 : memref<!tpu.dma_semaphore, #tpu.memory_space<semaphore_mem>>) src(%dma_wait3A_194 : memref<10240x128xf32, #tpu.memory_space<hbm>>) dst(%arg10 : memref<128x128xf32, #tpu.memory_space<vmem>>)
      %add3A_195 = arith.constant 1 : i32
      %add3A_196 = arith.addi %mul3A_166, %add3A_195 : i32
      %dma_start3A_197 = arith.constant 0 : i32
      %dma_start3A_198 = tpu.memref_slice %arg8[%add3A_196, %dma_start3A_197] : memref<40x128xi32, #tpu.memory_space<vmem>> -> memref<1x128xi32, #tpu.memory_space<vmem>>
      %dma_start3A_199 = tpu.memref_squeeze %dma_start3A_198 : memref<1x128xi32, #tpu.memory_space<vmem>> -> memref<128xi32, #tpu.memory_space<vmem>>
      %dma_start3A_200 = arith.constant 0 : i32
      %dma_start3A_201 = arith.constant 0 : i32
      %dma_start3A_202 = tpu.memref_slice %arg11[%dma_start3A_200, %dma_start3A_201] : memref<10240x128xf32, #tpu.memory_space<vmem_shared>> -> memref<10240x128xf32, #tpu.memory_space<vmem_shared>>
      tpu.enqueue_indirect_dma source(%arg10 : memref<128x128xf32, #tpu.memory_space<vmem>>) target(%dma_start3A_202 : memref<10240x128xf32, #tpu.memory_space<vmem_shared>>) offsets(%dma_start3A_199 : memref<128xi32, #tpu.memory_space<vmem>>) semaphore(%arg15 : memref<!tpu.dma_semaphore, #tpu.memory_space<semaphore_mem>>) {add = true}
      %dma_wait3A_203 = arith.constant 0 : i32
      %dma_wait3A_204 = arith.constant 0 : i32
      %dma_wait3A_205 = tpu.memref_slice %arg8[%dma_wait3A_203, %dma_wait3A_204] : memref<40x128xi32, #tpu.memory_space<vmem>> -> memref<1x128xi32, #tpu.memory_space<vmem>>
      %dma_wait3A_206 = tpu.memref_squeeze %dma_wait3A_205 : memref<1x128xi32, #tpu.memory_space<vmem>> -> memref<128xi32, #tpu.memory_space<vmem>>
      %dma_wait3A_207 = arith.constant 0 : i32
      %dma_wait3A_208 = arith.constant 0 : i32
      %dma_wait3A_209 = tpu.memref_slice %arg11[%dma_wait3A_207, %dma_wait3A_208] : memref<10240x128xf32, #tpu.memory_space<vmem_shared>> -> memref<10240x128xf32, #tpu.memory_space<vmem_shared>>
      tpu.wait_indirect_dma semaphore(%arg14 : memref<!tpu.dma_semaphore, #tpu.memory_space<semaphore_mem>>) src(%arg9 : memref<128x128xf32, #tpu.memory_space<vmem>>) dst(%dma_wait3A_209 : memref<10240x128xf32, #tpu.memory_space<vmem_shared>>)
      %add3A_210 = arith.constant 2 : i32
      %add3A_211 = arith.addi %mul3A_166, %add3A_210 : i32
      %dma_start3A_212 = arith.constant 0 : i32
      %dma_start3A_213 = tpu.memref_slice %arg7[%add3A_211, %dma_start3A_212] : memref<40x128xi32, #tpu.memory_space<vmem>> -> memref<1x128xi32, #tpu.memory_space<vmem>>
      %dma_start3A_214 = tpu.memref_squeeze %dma_start3A_213 : memref<1x128xi32, #tpu.memory_space<vmem>> -> memref<128xi32, #tpu.memory_space<vmem>>
      %dma_start3A_215 = arith.constant 0 : i32
      %dma_start3A_216 = arith.constant 0 : i32
      %dma_start3A_217 = tpu.memref_slice %arg2[%arg0, %dma_start3A_215, %dma_start3A_216] : memref<2x10240x128xf32, #tpu.memory_space<hbm>> -> memref<1x10240x128xf32, #tpu.memory_space<hbm>>
      %dma_start3A_218 = tpu.memref_squeeze %dma_start3A_217 : memref<1x10240x128xf32, #tpu.memory_space<hbm>> -> memref<10240x128xf32, #tpu.memory_space<hbm>>
      %dma_start3A_219 = arith.constant 0 : i32
      %dma_start3A_220 = arith.constant 0 : i32
      %dma_start3A_221 = tpu.memref_slice %dma_start3A_218[%dma_start3A_219, %dma_start3A_220] : memref<10240x128xf32, #tpu.memory_space<hbm>> -> memref<10240x128xf32, #tpu.memory_space<hbm>>
      tpu.enqueue_indirect_dma source(%dma_start3A_221 : memref<10240x128xf32, #tpu.memory_space<hbm>>) target(%arg9 : memref<128x128xf32, #tpu.memory_space<vmem>>) offsets(%dma_start3A_214 : memref<128xi32, #tpu.memory_space<vmem>>) semaphore(%arg12 : memref<!tpu.dma_semaphore, #tpu.memory_space<semaphore_mem>>)
      %dma_wait3A_222 = arith.constant 0 : i32
      %dma_wait3A_223 = arith.constant 0 : i32
      %dma_wait3A_224 = tpu.memref_slice %arg8[%dma_wait3A_222, %dma_wait3A_223] : memref<40x128xi32, #tpu.memory_space<vmem>> -> memref<1x128xi32, #tpu.memory_space<vmem>>
      %dma_wait3A_225 = tpu.memref_squeeze %dma_wait3A_224 : memref<1x128xi32, #tpu.memory_space<vmem>> -> memref<128xi32, #tpu.memory_space<vmem>>
      %dma_wait3A_226 = arith.constant 0 : i32
      %dma_wait3A_227 = arith.constant 0 : i32
      %dma_wait3A_228 = tpu.memref_slice %arg11[%dma_wait3A_226, %dma_wait3A_227] : memref<10240x128xf32, #tpu.memory_space<vmem_shared>> -> memref<10240x128xf32, #tpu.memory_space<vmem_shared>>
      tpu.wait_indirect_dma semaphore(%arg15 : memref<!tpu.dma_semaphore, #tpu.memory_space<semaphore_mem>>) src(%arg10 : memref<128x128xf32, #tpu.memory_space<vmem>>) dst(%dma_wait3A_228 : memref<10240x128xf32, #tpu.memory_space<vmem_shared>>)
      %add3A_229 = arith.constant 3 : i32
      %add3A_230 = arith.addi %mul3A_166, %add3A_229 : i32
      %dma_start3A_231 = arith.constant 0 : i32
      %dma_start3A_232 = tpu.memref_slice %arg7[%add3A_230, %dma_start3A_231] : memref<40x128xi32, #tpu.memory_space<vmem>> -> memref<1x128xi32, #tpu.memory_space<vmem>>
      %dma_start3A_233 = tpu.memref_squeeze %dma_start3A_232 : memref<1x128xi32, #tpu.memory_space<vmem>> -> memref<128xi32, #tpu.memory_space<vmem>>
      %dma_start3A_234 = arith.constant 0 : i32
      %dma_start3A_235 = arith.constant 0 : i32
      %dma_start3A_236 = tpu.memref_slice %arg2[%arg0, %dma_start3A_234, %dma_start3A_235] : memref<2x10240x128xf32, #tpu.memory_space<hbm>> -> memref<1x10240x128xf32, #tpu.memory_space<hbm>>
      %dma_start3A_237 = tpu.memref_squeeze %dma_start3A_236 : memref<1x10240x128xf32, #tpu.memory_space<hbm>> -> memref<10240x128xf32, #tpu.memory_space<hbm>>
      %dma_start3A_238 = arith.constant 0 : i32
      %dma_start3A_239 = arith.constant 0 : i32
      %dma_start3A_240 = tpu.memref_slice %dma_start3A_237[%dma_start3A_238, %dma_start3A_239] : memref<10240x128xf32, #tpu.memory_space<hbm>> -> memref<10240x128xf32, #tpu.memory_space<hbm>>
      tpu.enqueue_indirect_dma source(%dma_start3A_240 : memref<10240x128xf32, #tpu.memory_space<hbm>>) target(%arg10 : memref<128x128xf32, #tpu.memory_space<vmem>>) offsets(%dma_start3A_233 : memref<128xi32, #tpu.memory_space<vmem>>) semaphore(%arg13 : memref<!tpu.dma_semaphore, #tpu.memory_space<semaphore_mem>>)
    }
    %scan3A_28 = arith.constant 19 : i32
    %dma_wait3A = arith.constant 0 : i32
    %dma_wait3A_29 = arith.constant 0 : i32
    %dma_wait3A_30 = tpu.memref_slice %arg7[%dma_wait3A, %dma_wait3A_29] : memref<40x128xi32, #tpu.memory_space<vmem>> -> memref<1x128xi32, #tpu.memory_space<vmem>>
    %dma_wait3A_31 = tpu.memref_squeeze %dma_wait3A_30 : memref<1x128xi32, #tpu.memory_space<vmem>> -> memref<128xi32, #tpu.memory_space<vmem>>
    %dma_wait3A_32 = arith.constant 0 : i32
    %dma_wait3A_33 = arith.constant 0 : i32
    %dma_wait3A_34 = tpu.memref_slice %arg2[%arg0, %dma_wait3A_32, %dma_wait3A_33] : memref<2x10240x128xf32, #tpu.memory_space<hbm>> -> memref<1x10240x128xf32, #tpu.memory_space<hbm>>
    %dma_wait3A_35 = tpu.memref_squeeze %dma_wait3A_34 : memref<1x10240x128xf32, #tpu.memory_space<hbm>> -> memref<10240x128xf32, #tpu.memory_space<hbm>>
    %dma_wait3A_36 = arith.constant 0 : i32
    %dma_wait3A_37 = arith.constant 0 : i32
    %dma_wait3A_38 = tpu.memref_slice %dma_wait3A_35[%dma_wait3A_36, %dma_wait3A_37] : memref<10240x128xf32, #tpu.memory_space<hbm>> -> memref<10240x128xf32, #tpu.memory_space<hbm>>
    tpu.wait_indirect_dma semaphore(%arg12 : memref<!tpu.dma_semaphore, #tpu.memory_space<semaphore_mem>>) src(%dma_wait3A_38 : memref<10240x128xf32, #tpu.memory_space<hbm>>) dst(%arg9 : memref<128x128xf32, #tpu.memory_space<vmem>>)
    %dma_start3A_39 = arith.constant 38 : i32
    %dma_start3A_40 = arith.constant 0 : i32
    %dma_start3A_41 = tpu.memref_slice %arg8[%dma_start3A_39, %dma_start3A_40] : memref<40x128xi32, #tpu.memory_space<vmem>> -> memref<1x128xi32, #tpu.memory_space<vmem>>
    %dma_start3A_42 = tpu.memref_squeeze %dma_start3A_41 : memref<1x128xi32, #tpu.memory_space<vmem>> -> memref<128xi32, #tpu.memory_space<vmem>>
    %dma_start3A_43 = arith.constant 0 : i32
    %dma_start3A_44 = arith.constant 0 : i32
    %dma_start3A_45 = tpu.memref_slice %arg11[%dma_start3A_43, %dma_start3A_44] : memref<10240x128xf32, #tpu.memory_space<vmem_shared>> -> memref<10240x128xf32, #tpu.memory_space<vmem_shared>>
    tpu.enqueue_indirect_dma source(%arg9 : memref<128x128xf32, #tpu.memory_space<vmem>>) target(%dma_start3A_45 : memref<10240x128xf32, #tpu.memory_space<vmem_shared>>) offsets(%dma_start3A_42 : memref<128xi32, #tpu.memory_space<vmem>>) semaphore(%arg14 : memref<!tpu.dma_semaphore, #tpu.memory_space<semaphore_mem>>) {add = true}
    %dma_wait3A_46 = arith.constant 0 : i32
    %dma_wait3A_47 = arith.constant 0 : i32
    %dma_wait3A_48 = tpu.memref_slice %arg7[%dma_wait3A_46, %dma_wait3A_47] : memref<40x128xi32, #tpu.memory_space<vmem>> -> memref<1x128xi32, #tpu.memory_space<vmem>>
    %dma_wait3A_49 = tpu.memref_squeeze %dma_wait3A_48 : memref<1x128xi32, #tpu.memory_space<vmem>> -> memref<128xi32, #tpu.memory_space<vmem>>
    %dma_wait3A_50 = arith.constant 0 : i32
    %dma_wait3A_51 = arith.constant 0 : i32
    %dma_wait3A_52 = tpu.memref_slice %arg2[%arg0, %dma_wait3A_50, %dma_wait3A_51] : memref<2x10240x128xf32, #tpu.memory_space<hbm>> -> memref<1x10240x128xf32, #tpu.memory_space<hbm>>
    %dma_wait3A_53 = tpu.memref_squeeze %dma_wait3A_52 : memref<1x10240x128xf32, #tpu.memory_space<hbm>> -> memref<10240x128xf32, #tpu.memory_space<hbm>>
    %dma_wait3A_54 = arith.constant 0 : i32
    %dma_wait3A_55 = arith.constant 0 : i32
    %dma_wait3A_56 = tpu.memref_slice %dma_wait3A_53[%dma_wait3A_54, %dma_wait3A_55] : memref<10240x128xf32, #tpu.memory_space<hbm>> -> memref<10240x128xf32, #tpu.memory_space<hbm>>
    tpu.wait_indirect_dma semaphore(%arg13 : memref<!tpu.dma_semaphore, #tpu.memory_space<semaphore_mem>>) src(%dma_wait3A_56 : memref<10240x128xf32, #tpu.memory_space<hbm>>) dst(%arg10 : memref<128x128xf32, #tpu.memory_space<vmem>>)
    %dma_start3A_57 = arith.constant 39 : i32
    %dma_start3A_58 = arith.constant 0 : i32
    %dma_start3A_59 = tpu.memref_slice %arg8[%dma_start3A_57, %dma_start3A_58] : memref<40x128xi32, #tpu.memory_space<vmem>> -> memref<1x128xi32, #tpu.memory_space<vmem>>
    %dma_start3A_60 = tpu.memref_squeeze %dma_start3A_59 : memref<1x128xi32, #tpu.memory_space<vmem>> -> memref<128xi32, #tpu.memory_space<vmem>>
    %dma_start3A_61 = arith.constant 0 : i32
    %dma_start3A_62 = arith.constant 0 : i32
    %dma_start3A_63 = tpu.memref_slice %arg11[%dma_start3A_61, %dma_start3A_62] : memref<10240x128xf32, #tpu.memory_space<vmem_shared>> -> memref<10240x128xf32, #tpu.memory_space<vmem_shared>>
    tpu.enqueue_indirect_dma source(%arg10 : memref<128x128xf32, #tpu.memory_space<vmem>>) target(%dma_start3A_63 : memref<10240x128xf32, #tpu.memory_space<vmem_shared>>) offsets(%dma_start3A_60 : memref<128xi32, #tpu.memory_space<vmem>>) semaphore(%arg15 : memref<!tpu.dma_semaphore, #tpu.memory_space<semaphore_mem>>) {add = true}
    %dma_wait3A_64 = arith.constant 0 : i32
    %dma_wait3A_65 = arith.constant 0 : i32
    %dma_wait3A_66 = tpu.memref_slice %arg8[%dma_wait3A_64, %dma_wait3A_65] : memref<40x128xi32, #tpu.memory_space<vmem>> -> memref<1x128xi32, #tpu.memory_space<vmem>>
    %dma_wait3A_67 = tpu.memref_squeeze %dma_wait3A_66 : memref<1x128xi32, #tpu.memory_space<vmem>> -> memref<128xi32, #tpu.memory_space<vmem>>
    %dma_wait3A_68 = arith.constant 0 : i32
    %dma_wait3A_69 = arith.constant 0 : i32
    %dma_wait3A_70 = tpu.memref_slice %arg11[%dma_wait3A_68, %dma_wait3A_69] : memref<10240x128xf32, #tpu.memory_space<vmem_shared>> -> memref<10240x128xf32, #tpu.memory_space<vmem_shared>>
    tpu.wait_indirect_dma semaphore(%arg14 : memref<!tpu.dma_semaphore, #tpu.memory_space<semaphore_mem>>) src(%arg9 : memref<128x128xf32, #tpu.memory_space<vmem>>) dst(%dma_wait3A_70 : memref<10240x128xf32, #tpu.memory_space<vmem_shared>>)
    %dma_wait3A_71 = arith.constant 0 : i32
    %dma_wait3A_72 = arith.constant 0 : i32
    %dma_wait3A_73 = tpu.memref_slice %arg8[%dma_wait3A_71, %dma_wait3A_72] : memref<40x128xi32, #tpu.memory_space<vmem>> -> memref<1x128xi32, #tpu.memory_space<vmem>>
    %dma_wait3A_74 = tpu.memref_squeeze %dma_wait3A_73 : memref<1x128xi32, #tpu.memory_space<vmem>> -> memref<128xi32, #tpu.memory_space<vmem>>
    %dma_wait3A_75 = arith.constant 0 : i32
    %dma_wait3A_76 = arith.constant 0 : i32
    %dma_wait3A_77 = tpu.memref_slice %arg11[%dma_wait3A_75, %dma_wait3A_76] : memref<10240x128xf32, #tpu.memory_space<vmem_shared>> -> memref<10240x128xf32, #tpu.memory_space<vmem_shared>>
    tpu.wait_indirect_dma semaphore(%arg15 : memref<!tpu.dma_semaphore, #tpu.memory_space<semaphore_mem>>) src(%arg10 : memref<128x128xf32, #tpu.memory_space<vmem>>) dst(%dma_wait3A_77 : memref<10240x128xf32, #tpu.memory_space<vmem_shared>>)
    %mul3A_78 = arith.constant 2 : i32
    %mul3A_79 = arith.muli %arg1, %mul3A_78 : i32
    %add3A_80 = arith.constant 1 : i32
    %add3A_81 = arith.addi %mul3A_79, %add3A_80 : i32
    "tpu.region"() ({
      %run_scoped3A = tpu.sem_alloc : memref<!tpu.dma_semaphore, #tpu.memory_space<semaphore_mem>>
      %dma_start3A_160 = arith.constant 0 : i32
      %dma_start3A_161 = arith.constant 0 : i32
      %dma_start3A_162 = tpu.memref_slice %arg3[%add3A_81, %dma_start3A_160, %dma_start3A_161] : memref<32x40x128xi32, #tpu.memory_space<hbm>> -> memref<1x40x128xi32, #tpu.memory_space<hbm>>
      %dma_start3A_163 = tpu.memref_squeeze %dma_start3A_162 : memref<1x40x128xi32, #tpu.memory_space<hbm>> -> memref<40x128xi32, #tpu.memory_space<hbm>>
      %dma_start3A_164 = arith.constant 0 : i32
      %dma_start3A_165 = arith.constant 0 : i32
      %dma_start3A_166 = tpu.memref_slice %arg3[%add3A_81, %dma_start3A_164, %dma_start3A_165] : memref<32x40x128xi32, #tpu.memory_space<hbm>> -> memref<1x40x128xi32, #tpu.memory_space<hbm>>
      %dma_start3A_167 = tpu.memref_squeeze %dma_start3A_166 : memref<1x40x128xi32, #tpu.memory_space<hbm>> -> memref<40x128xi32, #tpu.memory_space<hbm>>
      tpu.enqueue_dma source(%dma_start3A_167 : memref<40x128xi32, #tpu.memory_space<hbm>>) target(%arg7 : memref<40x128xi32, #tpu.memory_space<vmem>>) target_semaphore(%run_scoped3A : memref<!tpu.dma_semaphore, #tpu.memory_space<semaphore_mem>>)
      %dma_wait3A_168 = arith.constant 0 : i32
      %dma_wait3A_169 = arith.constant 0 : i32
      %dma_wait3A_170 = tpu.memref_slice %arg3[%add3A_81, %dma_wait3A_168, %dma_wait3A_169] : memref<32x40x128xi32, #tpu.memory_space<hbm>> -> memref<1x40x128xi32, #tpu.memory_space<hbm>>
      %dma_wait3A_171 = tpu.memref_squeeze %dma_wait3A_170 : memref<1x40x128xi32, #tpu.memory_space<hbm>> -> memref<40x128xi32, #tpu.memory_space<hbm>>
      %dma_wait3A_172 = arith.constant 0 : i32
      %dma_wait3A_173 = arith.constant 0 : i32
      %dma_wait3A_174 = tpu.memref_slice %arg3[%add3A_81, %dma_wait3A_172, %dma_wait3A_173] : memref<32x40x128xi32, #tpu.memory_space<hbm>> -> memref<1x40x128xi32, #tpu.memory_space<hbm>>
      %dma_wait3A_175 = tpu.memref_squeeze %dma_wait3A_174 : memref<1x40x128xi32, #tpu.memory_space<hbm>> -> memref<40x128xi32, #tpu.memory_space<hbm>>
      tpu.wait_dma2 semaphore(%run_scoped3A : memref<!tpu.dma_semaphore, #tpu.memory_space<semaphore_mem>>) src(%dma_wait3A_175 : memref<40x128xi32, #tpu.memory_space<hbm>>) dst(%arg7 : memref<40x128xi32, #tpu.memory_space<vmem>>)
      tpu.yield
    }) : () -> ()
    "tpu.region"() ({
      %run_scoped3A = tpu.sem_alloc : memref<!tpu.dma_semaphore, #tpu.memory_space<semaphore_mem>>
      %dma_start3A_160 = arith.constant 0 : i32
      %dma_start3A_161 = arith.constant 0 : i32
      %dma_start3A_162 = tpu.memref_slice %arg4[%add3A_81, %dma_start3A_160, %dma_start3A_161] : memref<32x40x128xi32, #tpu.memory_space<hbm>> -> memref<1x40x128xi32, #tpu.memory_space<hbm>>
      %dma_start3A_163 = tpu.memref_squeeze %dma_start3A_162 : memref<1x40x128xi32, #tpu.memory_space<hbm>> -> memref<40x128xi32, #tpu.memory_space<hbm>>
      %dma_start3A_164 = arith.constant 0 : i32
      %dma_start3A_165 = arith.constant 0 : i32
      %dma_start3A_166 = tpu.memref_slice %arg4[%add3A_81, %dma_start3A_164, %dma_start3A_165] : memref<32x40x128xi32, #tpu.memory_space<hbm>> -> memref<1x40x128xi32, #tpu.memory_space<hbm>>
      %dma_start3A_167 = tpu.memref_squeeze %dma_start3A_166 : memref<1x40x128xi32, #tpu.memory_space<hbm>> -> memref<40x128xi32, #tpu.memory_space<hbm>>
      tpu.enqueue_dma source(%dma_start3A_167 : memref<40x128xi32, #tpu.memory_space<hbm>>) target(%arg8 : memref<40x128xi32, #tpu.memory_space<vmem>>) target_semaphore(%run_scoped3A : memref<!tpu.dma_semaphore, #tpu.memory_space<semaphore_mem>>)
      %dma_wait3A_168 = arith.constant 0 : i32
      %dma_wait3A_169 = arith.constant 0 : i32
      %dma_wait3A_170 = tpu.memref_slice %arg4[%add3A_81, %dma_wait3A_168, %dma_wait3A_169] : memref<32x40x128xi32, #tpu.memory_space<hbm>> -> memref<1x40x128xi32, #tpu.memory_space<hbm>>
      %dma_wait3A_171 = tpu.memref_squeeze %dma_wait3A_170 : memref<1x40x128xi32, #tpu.memory_space<hbm>> -> memref<40x128xi32, #tpu.memory_space<hbm>>
      %dma_wait3A_172 = arith.constant 0 : i32
      %dma_wait3A_173 = arith.constant 0 : i32
      %dma_wait3A_174 = tpu.memref_slice %arg4[%add3A_81, %dma_wait3A_172, %dma_wait3A_173] : memref<32x40x128xi32, #tpu.memory_space<hbm>> -> memref<1x40x128xi32, #tpu.memory_space<hbm>>
      %dma_wait3A_175 = tpu.memref_squeeze %dma_wait3A_174 : memref<1x40x128xi32, #tpu.memory_space<hbm>> -> memref<40x128xi32, #tpu.memory_space<hbm>>
      tpu.wait_dma2 semaphore(%run_scoped3A : memref<!tpu.dma_semaphore, #tpu.memory_space<semaphore_mem>>) src(%dma_wait3A_175 : memref<40x128xi32, #tpu.memory_space<hbm>>) dst(%arg8 : memref<40x128xi32, #tpu.memory_space<vmem>>)
      tpu.yield
    }) : () -> ()
    %dma_start3A_82 = arith.constant 0 : i32
    %dma_start3A_83 = arith.constant 0 : i32
    %dma_start3A_84 = tpu.memref_slice %arg7[%dma_start3A_82, %dma_start3A_83] : memref<40x128xi32, #tpu.memory_space<vmem>> -> memref<1x128xi32, #tpu.memory_space<vmem>>
    %dma_start3A_85 = tpu.memref_squeeze %dma_start3A_84 : memref<1x128xi32, #tpu.memory_space<vmem>> -> memref<128xi32, #tpu.memory_space<vmem>>
    %dma_start3A_86 = arith.constant 0 : i32
    %dma_start3A_87 = arith.constant 0 : i32
    %dma_start3A_88 = tpu.memref_slice %arg2[%arg0, %dma_start3A_86, %dma_start3A_87] : memref<2x10240x128xf32, #tpu.memory_space<hbm>> -> memref<1x10240x128xf32, #tpu.memory_space<hbm>>
    %dma_start3A_89 = tpu.memref_squeeze %dma_start3A_88 : memref<1x10240x128xf32, #tpu.memory_space<hbm>> -> memref<10240x128xf32, #tpu.memory_space<hbm>>
    %dma_start3A_90 = arith.constant 0 : i32
    %dma_start3A_91 = arith.constant 0 : i32
    %dma_start3A_92 = tpu.memref_slice %dma_start3A_89[%dma_start3A_90, %dma_start3A_91] : memref<10240x128xf32, #tpu.memory_space<hbm>> -> memref<10240x128xf32, #tpu.memory_space<hbm>>
    tpu.enqueue_indirect_dma source(%dma_start3A_92 : memref<10240x128xf32, #tpu.memory_space<hbm>>) target(%arg9 : memref<128x128xf32, #tpu.memory_space<vmem>>) offsets(%dma_start3A_85 : memref<128xi32, #tpu.memory_space<vmem>>) semaphore(%arg12 : memref<!tpu.dma_semaphore, #tpu.memory_space<semaphore_mem>>)
    %dma_start3A_93 = arith.constant 1 : i32
    %dma_start3A_94 = arith.constant 0 : i32
    %dma_start3A_95 = tpu.memref_slice %arg7[%dma_start3A_93, %dma_start3A_94] : memref<40x128xi32, #tpu.memory_space<vmem>> -> memref<1x128xi32, #tpu.memory_space<vmem>>
    %dma_start3A_96 = tpu.memref_squeeze %dma_start3A_95 : memref<1x128xi32, #tpu.memory_space<vmem>> -> memref<128xi32, #tpu.memory_space<vmem>>
    %dma_start3A_97 = arith.constant 0 : i32
    %dma_start3A_98 = arith.constant 0 : i32
    %dma_start3A_99 = tpu.memref_slice %arg2[%arg0, %dma_start3A_97, %dma_start3A_98] : memref<2x10240x128xf32, #tpu.memory_space<hbm>> -> memref<1x10240x128xf32, #tpu.memory_space<hbm>>
    %dma_start3A_100 = tpu.memref_squeeze %dma_start3A_99 : memref<1x10240x128xf32, #tpu.memory_space<hbm>> -> memref<10240x128xf32, #tpu.memory_space<hbm>>
    %dma_start3A_101 = arith.constant 0 : i32
    %dma_start3A_102 = arith.constant 0 : i32
    %dma_start3A_103 = tpu.memref_slice %dma_start3A_100[%dma_start3A_101, %dma_start3A_102] : memref<10240x128xf32, #tpu.memory_space<hbm>> -> memref<10240x128xf32, #tpu.memory_space<hbm>>
    tpu.enqueue_indirect_dma source(%dma_start3A_103 : memref<10240x128xf32, #tpu.memory_space<hbm>>) target(%arg10 : memref<128x128xf32, #tpu.memory_space<vmem>>) offsets(%dma_start3A_96 : memref<128xi32, #tpu.memory_space<vmem>>) semaphore(%arg13 : memref<!tpu.dma_semaphore, #tpu.memory_space<semaphore_mem>>)
    %scan3A_104 = arith.constant 0 : i32
    %scan3A_105 = arith.constant 19 : i32
    %scan3A_106 = arith.addi %scan3A_104, %scan3A_105 : i32
    %scan3A_107 = arith.constant 1 : i32
    scf.for %scan3A_160 = %scan3A_104 to %scan3A_106 step %scan3A_107  : i32 {
      %mul3A_161 = arith.constant 1 : i32
      %mul3A_162 = arith.muli %scan3A_160, %mul3A_161 : i32
      %add3A_163 = arith.constant 0 : i32
      %add3A_164 = arith.addi %add3A_163, %mul3A_162 : i32
      %mul3A_165 = arith.constant 2 : i32
      %mul3A_166 = arith.muli %mul3A_165, %add3A_164 : i32
      %dma_wait3A_167 = arith.constant 0 : i32
      %dma_wait3A_168 = arith.constant 0 : i32
      %dma_wait3A_169 = tpu.memref_slice %arg7[%dma_wait3A_167, %dma_wait3A_168] : memref<40x128xi32, #tpu.memory_space<vmem>> -> memref<1x128xi32, #tpu.memory_space<vmem>>
      %dma_wait3A_170 = tpu.memref_squeeze %dma_wait3A_169 : memref<1x128xi32, #tpu.memory_space<vmem>> -> memref<128xi32, #tpu.memory_space<vmem>>
      %dma_wait3A_171 = arith.constant 0 : i32
      %dma_wait3A_172 = arith.constant 0 : i32
      %dma_wait3A_173 = tpu.memref_slice %arg2[%arg0, %dma_wait3A_171, %dma_wait3A_172] : memref<2x10240x128xf32, #tpu.memory_space<hbm>> -> memref<1x10240x128xf32, #tpu.memory_space<hbm>>
      %dma_wait3A_174 = tpu.memref_squeeze %dma_wait3A_173 : memref<1x10240x128xf32, #tpu.memory_space<hbm>> -> memref<10240x128xf32, #tpu.memory_space<hbm>>
      %dma_wait3A_175 = arith.constant 0 : i32
      %dma_wait3A_176 = arith.constant 0 : i32
      %dma_wait3A_177 = tpu.memref_slice %dma_wait3A_174[%dma_wait3A_175, %dma_wait3A_176] : memref<10240x128xf32, #tpu.memory_space<hbm>> -> memref<10240x128xf32, #tpu.memory_space<hbm>>
      tpu.wait_indirect_dma semaphore(%arg12 : memref<!tpu.dma_semaphore, #tpu.memory_space<semaphore_mem>>) src(%dma_wait3A_177 : memref<10240x128xf32, #tpu.memory_space<hbm>>) dst(%arg9 : memref<128x128xf32, #tpu.memory_space<vmem>>)
      %dma_start3A_178 = arith.constant 0 : i32
      %dma_start3A_179 = tpu.memref_slice %arg8[%mul3A_166, %dma_start3A_178] : memref<40x128xi32, #tpu.memory_space<vmem>> -> memref<1x128xi32, #tpu.memory_space<vmem>>
      %dma_start3A_180 = tpu.memref_squeeze %dma_start3A_179 : memref<1x128xi32, #tpu.memory_space<vmem>> -> memref<128xi32, #tpu.memory_space<vmem>>
      %dma_start3A_181 = arith.constant 0 : i32
      %dma_start3A_182 = arith.constant 0 : i32
      %dma_start3A_183 = tpu.memref_slice %arg11[%dma_start3A_181, %dma_start3A_182] : memref<10240x128xf32, #tpu.memory_space<vmem_shared>> -> memref<10240x128xf32, #tpu.memory_space<vmem_shared>>
      tpu.enqueue_indirect_dma source(%arg9 : memref<128x128xf32, #tpu.memory_space<vmem>>) target(%dma_start3A_183 : memref<10240x128xf32, #tpu.memory_space<vmem_shared>>) offsets(%dma_start3A_180 : memref<128xi32, #tpu.memory_space<vmem>>) semaphore(%arg14 : memref<!tpu.dma_semaphore, #tpu.memory_space<semaphore_mem>>) {add = true}
      %dma_wait3A_184 = arith.constant 0 : i32
      %dma_wait3A_185 = arith.constant 0 : i32
      %dma_wait3A_186 = tpu.memref_slice %arg7[%dma_wait3A_184, %dma_wait3A_185] : memref<40x128xi32, #tpu.memory_space<vmem>> -> memref<1x128xi32, #tpu.memory_space<vmem>>
      %dma_wait3A_187 = tpu.memref_squeeze %dma_wait3A_186 : memref<1x128xi32, #tpu.memory_space<vmem>> -> memref<128xi32, #tpu.memory_space<vmem>>
      %dma_wait3A_188 = arith.constant 0 : i32
      %dma_wait3A_189 = arith.constant 0 : i32
      %dma_wait3A_190 = tpu.memref_slice %arg2[%arg0, %dma_wait3A_188, %dma_wait3A_189] : memref<2x10240x128xf32, #tpu.memory_space<hbm>> -> memref<1x10240x128xf32, #tpu.memory_space<hbm>>
      %dma_wait3A_191 = tpu.memref_squeeze %dma_wait3A_190 : memref<1x10240x128xf32, #tpu.memory_space<hbm>> -> memref<10240x128xf32, #tpu.memory_space<hbm>>
      %dma_wait3A_192 = arith.constant 0 : i32
      %dma_wait3A_193 = arith.constant 0 : i32
      %dma_wait3A_194 = tpu.memref_slice %dma_wait3A_191[%dma_wait3A_192, %dma_wait3A_193] : memref<10240x128xf32, #tpu.memory_space<hbm>> -> memref<10240x128xf32, #tpu.memory_space<hbm>>
      tpu.wait_indirect_dma semaphore(%arg13 : memref<!tpu.dma_semaphore, #tpu.memory_space<semaphore_mem>>) src(%dma_wait3A_194 : memref<10240x128xf32, #tpu.memory_space<hbm>>) dst(%arg10 : memref<128x128xf32, #tpu.memory_space<vmem>>)
      %add3A_195 = arith.constant 1 : i32
      %add3A_196 = arith.addi %mul3A_166, %add3A_195 : i32
      %dma_start3A_197 = arith.constant 0 : i32
      %dma_start3A_198 = tpu.memref_slice %arg8[%add3A_196, %dma_start3A_197] : memref<40x128xi32, #tpu.memory_space<vmem>> -> memref<1x128xi32, #tpu.memory_space<vmem>>
      %dma_start3A_199 = tpu.memref_squeeze %dma_start3A_198 : memref<1x128xi32, #tpu.memory_space<vmem>> -> memref<128xi32, #tpu.memory_space<vmem>>
      %dma_start3A_200 = arith.constant 0 : i32
      %dma_start3A_201 = arith.constant 0 : i32
      %dma_start3A_202 = tpu.memref_slice %arg11[%dma_start3A_200, %dma_start3A_201] : memref<10240x128xf32, #tpu.memory_space<vmem_shared>> -> memref<10240x128xf32, #tpu.memory_space<vmem_shared>>
      tpu.enqueue_indirect_dma source(%arg10 : memref<128x128xf32, #tpu.memory_space<vmem>>) target(%dma_start3A_202 : memref<10240x128xf32, #tpu.memory_space<vmem_shared>>) offsets(%dma_start3A_199 : memref<128xi32, #tpu.memory_space<vmem>>) semaphore(%arg15 : memref<!tpu.dma_semaphore, #tpu.memory_space<semaphore_mem>>) {add = true}
      %dma_wait3A_203 = arith.constant 0 : i32
      %dma_wait3A_204 = arith.constant 0 : i32
      %dma_wait3A_205 = tpu.memref_slice %arg8[%dma_wait3A_203, %dma_wait3A_204] : memref<40x128xi32, #tpu.memory_space<vmem>> -> memref<1x128xi32, #tpu.memory_space<vmem>>
      %dma_wait3A_206 = tpu.memref_squeeze %dma_wait3A_205 : memref<1x128xi32, #tpu.memory_space<vmem>> -> memref<128xi32, #tpu.memory_space<vmem>>
      %dma_wait3A_207 = arith.constant 0 : i32
      %dma_wait3A_208 = arith.constant 0 : i32
      %dma_wait3A_209 = tpu.memref_slice %arg11[%dma_wait3A_207, %dma_wait3A_208] : memref<10240x128xf32, #tpu.memory_space<vmem_shared>> -> memref<10240x128xf32, #tpu.memory_space<vmem_shared>>
      tpu.wait_indirect_dma semaphore(%arg14 : memref<!tpu.dma_semaphore, #tpu.memory_space<semaphore_mem>>) src(%arg9 : memref<128x128xf32, #tpu.memory_space<vmem>>) dst(%dma_wait3A_209 : memref<10240x128xf32, #tpu.memory_space<vmem_shared>>)
      %add3A_210 = arith.constant 2 : i32
      %add3A_211 = arith.addi %mul3A_166, %add3A_210 : i32
      %dma_start3A_212 = arith.constant 0 : i32
      %dma_start3A_213 = tpu.memref_slice %arg7[%add3A_211, %dma_start3A_212] : memref<40x128xi32, #tpu.memory_space<vmem>> -> memref<1x128xi32, #tpu.memory_space<vmem>>
      %dma_start3A_214 = tpu.memref_squeeze %dma_start3A_213 : memref<1x128xi32, #tpu.memory_space<vmem>> -> memref<128xi32, #tpu.memory_space<vmem>>
      %dma_start3A_215 = arith.constant 0 : i32
      %dma_start3A_216 = arith.constant 0 : i32
      %dma_start3A_217 = tpu.memref_slice %arg2[%arg0, %dma_start3A_215, %dma_start3A_216] : memref<2x10240x128xf32, #tpu.memory_space<hbm>> -> memref<1x10240x128xf32, #tpu.memory_space<hbm>>
      %dma_start3A_218 = tpu.memref_squeeze %dma_start3A_217 : memref<1x10240x128xf32, #tpu.memory_space<hbm>> -> memref<10240x128xf32, #tpu.memory_space<hbm>>
      %dma_start3A_219 = arith.constant 0 : i32
      %dma_start3A_220 = arith.constant 0 : i32
      %dma_start3A_221 = tpu.memref_slice %dma_start3A_218[%dma_start3A_219, %dma_start3A_220] : memref<10240x128xf32, #tpu.memory_space<hbm>> -> memref<10240x128xf32, #tpu.memory_space<hbm>>
      tpu.enqueue_indirect_dma source(%dma_start3A_221 : memref<10240x128xf32, #tpu.memory_space<hbm>>) target(%arg9 : memref<128x128xf32, #tpu.memory_space<vmem>>) offsets(%dma_start3A_214 : memref<128xi32, #tpu.memory_space<vmem>>) semaphore(%arg12 : memref<!tpu.dma_semaphore, #tpu.memory_space<semaphore_mem>>)
      %dma_wait3A_222 = arith.constant 0 : i32
      %dma_wait3A_223 = arith.constant 0 : i32
      %dma_wait3A_224 = tpu.memref_slice %arg8[%dma_wait3A_222, %dma_wait3A_223] : memref<40x128xi32, #tpu.memory_space<vmem>> -> memref<1x128xi32, #tpu.memory_space<vmem>>
      %dma_wait3A_225 = tpu.memref_squeeze %dma_wait3A_224 : memref<1x128xi32, #tpu.memory_space<vmem>> -> memref<128xi32, #tpu.memory_space<vmem>>
      %dma_wait3A_226 = arith.constant 0 : i32
      %dma_wait3A_227 = arith.constant 0 : i32
      %dma_wait3A_228 = tpu.memref_slice %arg11[%dma_wait3A_226, %dma_wait3A_227] : memref<10240x128xf32, #tpu.memory_space<vmem_shared>> -> memref<10240x128xf32, #tpu.memory_space<vmem_shared>>
      tpu.wait_indirect_dma semaphore(%arg15 : memref<!tpu.dma_semaphore, #tpu.memory_space<semaphore_mem>>) src(%arg10 : memref<128x128xf32, #tpu.memory_space<vmem>>) dst(%dma_wait3A_228 : memref<10240x128xf32, #tpu.memory_space<vmem_shared>>)
      %add3A_229 = arith.constant 3 : i32
      %add3A_230 = arith.addi %mul3A_166, %add3A_229 : i32
      %dma_start3A_231 = arith.constant 0 : i32
      %dma_start3A_232 = tpu.memref_slice %arg7[%add3A_230, %dma_start3A_231] : memref<40x128xi32, #tpu.memory_space<vmem>> -> memref<1x128xi32, #tpu.memory_space<vmem>>
      %dma_start3A_233 = tpu.memref_squeeze %dma_start3A_232 : memref<1x128xi32, #tpu.memory_space<vmem>> -> memref<128xi32, #tpu.memory_space<vmem>>
      %dma_start3A_234 = arith.constant 0 : i32
      %dma_start3A_235 = arith.constant 0 : i32
      %dma_start3A_236 = tpu.memref_slice %arg2[%arg0, %dma_start3A_234, %dma_start3A_235] : memref<2x10240x128xf32, #tpu.memory_space<hbm>> -> memref<1x10240x128xf32, #tpu.memory_space<hbm>>
      %dma_start3A_237 = tpu.memref_squeeze %dma_start3A_236 : memref<1x10240x128xf32, #tpu.memory_space<hbm>> -> memref<10240x128xf32, #tpu.memory_space<hbm>>
      %dma_start3A_238 = arith.constant 0 : i32
      %dma_start3A_239 = arith.constant 0 : i32
      %dma_start3A_240 = tpu.memref_slice %dma_start3A_237[%dma_start3A_238, %dma_start3A_239] : memref<10240x128xf32, #tpu.memory_space<hbm>> -> memref<10240x128xf32, #tpu.memory_space<hbm>>
      tpu.enqueue_indirect_dma source(%dma_start3A_240 : memref<10240x128xf32, #tpu.memory_space<hbm>>) target(%arg10 : memref<128x128xf32, #tpu.memory_space<vmem>>) offsets(%dma_start3A_233 : memref<128xi32, #tpu.memory_space<vmem>>) semaphore(%arg13 : memref<!tpu.dma_semaphore, #tpu.memory_space<semaphore_mem>>)
    }
    %scan3A_108 = arith.constant 19 : i32
    %dma_wait3A_109 = arith.constant 0 : i32
    %dma_wait3A_110 = arith.constant 0 : i32
    %dma_wait3A_111 = tpu.memref_slice %arg7[%dma_wait3A_109, %dma_wait3A_110] : memref<40x128xi32, #tpu.memory_space<vmem>> -> memref<1x128xi32, #tpu.memory_space<vmem>>
    %dma_wait3A_112 = tpu.memref_squeeze %dma_wait3A_111 : memref<1x128xi32, #tpu.memory_space<vmem>> -> memref<128xi32, #tpu.memory_space<vmem>>
    %dma_wait3A_113 = arith.constant 0 : i32
    %dma_wait3A_114 = arith.constant 0 : i32
    %dma_wait3A_115 = tpu.memref_slice %arg2[%arg0, %dma_wait3A_113, %dma_wait3A_114] : memref<2x10240x128xf32, #tpu.memory_space<hbm>> -> memref<1x10240x128xf32, #tpu.memory_space<hbm>>
    %dma_wait3A_116 = tpu.memref_squeeze %dma_wait3A_115 : memref<1x10240x128xf32, #tpu.memory_space<hbm>> -> memref<10240x128xf32, #tpu.memory_space<hbm>>
    %dma_wait3A_117 = arith.constant 0 : i32
    %dma_wait3A_118 = arith.constant 0 : i32
    %dma_wait3A_119 = tpu.memref_slice %dma_wait3A_116[%dma_wait3A_117, %dma_wait3A_118] : memref<10240x128xf32, #tpu.memory_space<hbm>> -> memref<10240x128xf32, #tpu.memory_space<hbm>>
    tpu.wait_indirect_dma semaphore(%arg12 : memref<!tpu.dma_semaphore, #tpu.memory_space<semaphore_mem>>) src(%dma_wait3A_119 : memref<10240x128xf32, #tpu.memory_space<hbm>>) dst(%arg9 : memref<128x128xf32, #tpu.memory_space<vmem>>)
    %dma_start3A_120 = arith.constant 38 : i32
    %dma_start3A_121 = arith.constant 0 : i32
    %dma_start3A_122 = tpu.memref_slice %arg8[%dma_start3A_120, %dma_start3A_121] : memref<40x128xi32, #tpu.memory_space<vmem>> -> memref<1x128xi32, #tpu.memory_space<vmem>>
    %dma_start3A_123 = tpu.memref_squeeze %dma_start3A_122 : memref<1x128xi32, #tpu.memory_space<vmem>> -> memref<128xi32, #tpu.memory_space<vmem>>
    %dma_start3A_124 = arith.constant 0 : i32
    %dma_start3A_125 = arith.constant 0 : i32
    %dma_start3A_126 = tpu.memref_slice %arg11[%dma_start3A_124, %dma_start3A_125] : memref<10240x128xf32, #tpu.memory_space<vmem_shared>> -> memref<10240x128xf32, #tpu.memory_space<vmem_shared>>
    tpu.enqueue_indirect_dma source(%arg9 : memref<128x128xf32, #tpu.memory_space<vmem>>) target(%dma_start3A_126 : memref<10240x128xf32, #tpu.memory_space<vmem_shared>>) offsets(%dma_start3A_123 : memref<128xi32, #tpu.memory_space<vmem>>) semaphore(%arg14 : memref<!tpu.dma_semaphore, #tpu.memory_space<semaphore_mem>>) {add = true}
    %dma_wait3A_127 = arith.constant 0 : i32
    %dma_wait3A_128 = arith.constant 0 : i32
    %dma_wait3A_129 = tpu.memref_slice %arg7[%dma_wait3A_127, %dma_wait3A_128] : memref<40x128xi32, #tpu.memory_space<vmem>> -> memref<1x128xi32, #tpu.memory_space<vmem>>
    %dma_wait3A_130 = tpu.memref_squeeze %dma_wait3A_129 : memref<1x128xi32, #tpu.memory_space<vmem>> -> memref<128xi32, #tpu.memory_space<vmem>>
    %dma_wait3A_131 = arith.constant 0 : i32
    %dma_wait3A_132 = arith.constant 0 : i32
    %dma_wait3A_133 = tpu.memref_slice %arg2[%arg0, %dma_wait3A_131, %dma_wait3A_132] : memref<2x10240x128xf32, #tpu.memory_space<hbm>> -> memref<1x10240x128xf32, #tpu.memory_space<hbm>>
    %dma_wait3A_134 = tpu.memref_squeeze %dma_wait3A_133 : memref<1x10240x128xf32, #tpu.memory_space<hbm>> -> memref<10240x128xf32, #tpu.memory_space<hbm>>
    %dma_wait3A_135 = arith.constant 0 : i32
    %dma_wait3A_136 = arith.constant 0 : i32
    %dma_wait3A_137 = tpu.memref_slice %dma_wait3A_134[%dma_wait3A_135, %dma_wait3A_136] : memref<10240x128xf32, #tpu.memory_space<hbm>> -> memref<10240x128xf32, #tpu.memory_space<hbm>>
    tpu.wait_indirect_dma semaphore(%arg13 : memref<!tpu.dma_semaphore, #tpu.memory_space<semaphore_mem>>) src(%dma_wait3A_137 : memref<10240x128xf32, #tpu.memory_space<hbm>>) dst(%arg10 : memref<128x128xf32, #tpu.memory_space<vmem>>)
    %dma_start3A_138 = arith.constant 39 : i32
    %dma_start3A_139 = arith.constant 0 : i32
    %dma_start3A_140 = tpu.memref_slice %arg8[%dma_start3A_138, %dma_start3A_139] : memref<40x128xi32, #tpu.memory_space<vmem>> -> memref<1x128xi32, #tpu.memory_space<vmem>>
    %dma_start3A_141 = tpu.memref_squeeze %dma_start3A_140 : memref<1x128xi32, #tpu.memory_space<vmem>> -> memref<128xi32, #tpu.memory_space<vmem>>
    %dma_start3A_142 = arith.constant 0 : i32
    %dma_start3A_143 = arith.constant 0 : i32
    %dma_start3A_144 = tpu.memref_slice %arg11[%dma_start3A_142, %dma_start3A_143] : memref<10240x128xf32, #tpu.memory_space<vmem_shared>> -> memref<10240x128xf32, #tpu.memory_space<vmem_shared>>
    tpu.enqueue_indirect_dma source(%arg10 : memref<128x128xf32, #tpu.memory_space<vmem>>) target(%dma_start3A_144 : memref<10240x128xf32, #tpu.memory_space<vmem_shared>>) offsets(%dma_start3A_141 : memref<128xi32, #tpu.memory_space<vmem>>) semaphore(%arg15 : memref<!tpu.dma_semaphore, #tpu.memory_space<semaphore_mem>>) {add = true}
    %dma_wait3A_145 = arith.constant 0 : i32
    %dma_wait3A_146 = arith.constant 0 : i32
    %dma_wait3A_147 = tpu.memref_slice %arg8[%dma_wait3A_145, %dma_wait3A_146] : memref<40x128xi32, #tpu.memory_space<vmem>> -> memref<1x128xi32, #tpu.memory_space<vmem>>
    %dma_wait3A_148 = tpu.memref_squeeze %dma_wait3A_147 : memref<1x128xi32, #tpu.memory_space<vmem>> -> memref<128xi32, #tpu.memory_space<vmem>>
    %dma_wait3A_149 = arith.constant 0 : i32
    %dma_wait3A_150 = arith.constant 0 : i32
    %dma_wait3A_151 = tpu.memref_slice %arg11[%dma_wait3A_149, %dma_wait3A_150] : memref<10240x128xf32, #tpu.memory_space<vmem_shared>> -> memref<10240x128xf32, #tpu.memory_space<vmem_shared>>
    tpu.wait_indirect_dma semaphore(%arg14 : memref<!tpu.dma_semaphore, #tpu.memory_space<semaphore_mem>>) src(%arg9 : memref<128x128xf32, #tpu.memory_space<vmem>>) dst(%dma_wait3A_151 : memref<10240x128xf32, #tpu.memory_space<vmem_shared>>)
    %dma_wait3A_152 = arith.constant 0 : i32
    %dma_wait3A_153 = arith.constant 0 : i32
    %dma_wait3A_154 = tpu.memref_slice %arg8[%dma_wait3A_152, %dma_wait3A_153] : memref<40x128xi32, #tpu.memory_space<vmem>> -> memref<1x128xi32, #tpu.memory_space<vmem>>
    %dma_wait3A_155 = tpu.memref_squeeze %dma_wait3A_154 : memref<1x128xi32, #tpu.memory_space<vmem>> -> memref<128xi32, #tpu.memory_space<vmem>>
    %dma_wait3A_156 = arith.constant 0 : i32
    %dma_wait3A_157 = arith.constant 0 : i32
    %dma_wait3A_158 = tpu.memref_slice %arg11[%dma_wait3A_156, %dma_wait3A_157] : memref<10240x128xf32, #tpu.memory_space<vmem_shared>> -> memref<10240x128xf32, #tpu.memory_space<vmem_shared>>
    tpu.wait_indirect_dma semaphore(%arg15 : memref<!tpu.dma_semaphore, #tpu.memory_space<semaphore_mem>>) src(%arg10 : memref<128x128xf32, #tpu.memory_space<vmem>>) dst(%dma_wait3A_158 : memref<10240x128xf32, #tpu.memory_space<vmem_shared>>)
    %barrier3A_159 = arith.constant 0 : index
    tpu.barrier barrier_id(%barrier3A_159)
    "tpu.region"() ({
      %run_scoped3A = tpu.sem_alloc : memref<!tpu.dma_semaphore, #tpu.memory_space<semaphore_mem>>
      %dma_start3A_160 = arith.constant 0 : i32
      %dma_start3A_161 = arith.constant 0 : i32
      %dma_start3A_162 = tpu.memref_slice %arg6[%arg0, %dma_start3A_160, %dma_start3A_161] : memref<2x10240x128xf32, #tpu.memory_space<hbm>> -> memref<1x10240x128xf32, #tpu.memory_space<hbm>>
      %dma_start3A_163 = tpu.memref_squeeze %dma_start3A_162 : memref<1x10240x128xf32, #tpu.memory_space<hbm>> -> memref<10240x128xf32, #tpu.memory_space<hbm>>
      %dma_start3A_164 = arith.constant 0 : i32
      %dma_start3A_165 = tpu.memref_slice %dma_start3A_163[%mul3A_0, %dma_start3A_164] : memref<10240x128xf32, #tpu.memory_space<hbm>> -> memref<640x128xf32, #tpu.memory_space<hbm>>
      %dma_start3A_166 = arith.constant 0 : i32
      %dma_start3A_167 = tpu.memref_slice %arg11[%mul3A_0, %dma_start3A_166] : memref<10240x128xf32, #tpu.memory_space<vmem_shared>> -> memref<640x128xf32, #tpu.memory_space<vmem_shared>>
      tpu.enqueue_dma source(%dma_start3A_167 : memref<640x128xf32, #tpu.memory_space<vmem_shared>>) target(%dma_start3A_165 : memref<640x128xf32, #tpu.memory_space<hbm>>) target_semaphore(%run_scoped3A : memref<!tpu.dma_semaphore, #tpu.memory_space<semaphore_mem>>)
      %dma_wait3A_168 = arith.constant 0 : i32
      %dma_wait3A_169 = arith.constant 0 : i32
      %dma_wait3A_170 = tpu.memref_slice %arg6[%arg0, %dma_wait3A_168, %dma_wait3A_169] : memref<2x10240x128xf32, #tpu.memory_space<hbm>> -> memref<1x10240x128xf32, #tpu.memory_space<hbm>>
      %dma_wait3A_171 = tpu.memref_squeeze %dma_wait3A_170 : memref<1x10240x128xf32, #tpu.memory_space<hbm>> -> memref<10240x128xf32, #tpu.memory_space<hbm>>
      %dma_wait3A_172 = arith.constant 0 : i32
      %dma_wait3A_173 = tpu.memref_slice %dma_wait3A_171[%mul3A_0, %dma_wait3A_172] : memref<10240x128xf32, #tpu.memory_space<hbm>> -> memref<640x128xf32, #tpu.memory_space<hbm>>
      %dma_wait3A_174 = arith.constant 0 : i32
      %dma_wait3A_175 = tpu.memref_slice %arg11[%mul3A_0, %dma_wait3A_174] : memref<10240x128xf32, #tpu.memory_space<vmem_shared>> -> memref<640x128xf32, #tpu.memory_space<vmem_shared>>
      tpu.wait_dma2 semaphore(%run_scoped3A : memref<!tpu.dma_semaphore, #tpu.memory_space<semaphore_mem>>) src(%dma_wait3A_175 : memref<640x128xf32, #tpu.memory_space<vmem_shared>>) dst(%dma_wait3A_173 : memref<640x128xf32, #tpu.memory_space<hbm>>)
      tpu.yield
    }) : () -> ()
    return
  }
}

#map = affine_map<(d0, d1) -> (0, 0)>
#map1 = affine_map<(d0, d1) -> (0, 0, 0)>
module attributes {stable_mosaic.version = 14 : i64} {
  func.func @sc_kernel(%arg0: i32, %arg1: i32, %arg2: memref<10240x128xf32, #tpu.memory_space<hbm>>, %arg3: memref<32x40x128xi32, #tpu.memory_space<hbm>>, %arg4: memref<32x40x128xi32, #tpu.memory_space<hbm>>, %arg5: memref<640x128xf32, #tpu.memory_space<hbm>>, %arg6: memref<2x10240x128xf32, #tpu.memory_space<hbm>>, %arg7: memref<40x128xi32, #tpu.memory_space<vmem>>, %arg8: memref<40x128xi32, #tpu.memory_space<vmem>>, %arg9: memref<128x128xf32, #tpu.memory_space<vmem>>, %arg10: memref<128x128xf32, #tpu.memory_space<vmem>>, %arg11: memref<10240x128xf32, #tpu.memory_space<vmem_shared>>, %arg12: memref<!tpu.dma_semaphore, #tpu.memory_space<semaphore_mem>>, %arg13: memref<!tpu.dma_semaphore, #tpu.memory_space<semaphore_mem>>, %arg14: memref<!tpu.dma_semaphore, #tpu.memory_space<semaphore_mem>>, %arg15: memref<!tpu.dma_semaphore, #tpu.memory_space<semaphore_mem>>) attributes {dimension_semantics = [#tpu.dimension_semantics<core_parallel>, #tpu.dimension_semantics<subcore_parallel>], iteration_bounds = array<i64: 2, 16>, scalar_prefetch = 0 : i64, scratch_operands = 9 : i64, tpu.core_type = #tpu.core_type<sc_vector_subcore>, window_params = [{transform_indices = #map}, {transform_indices = #map1}, {transform_indices = #map1}, {transform_indices = #map}, {transform_indices = #map1}]} {
    %mul3A = arith.constant 16 : i32
    %mul3A_0 = arith.muli %arg0, %mul3A : i32
    %add3A = arith.addi %mul3A_0, %arg1 : i32
    %mul3A_1 = arith.constant 640 : i32
    %mul3A_2 = arith.muli %arg1, %mul3A_1 : i32
    "tpu.region"() ({
      %run_scoped3A = tpu.sem_alloc : memref<!tpu.dma_semaphore, #tpu.memory_space<semaphore_mem>>
      %dma_start3A_62 = arith.constant 0 : i32
      %dma_start3A_63 = tpu.memref_slice %arg11[%mul3A_2, %dma_start3A_62] : memref<10240x128xf32, #tpu.memory_space<vmem_shared>> -> memref<640x128xf32, #tpu.memory_space<vmem_shared>>
      tpu.enqueue_dma source(%arg5 : memref<640x128xf32, #tpu.memory_space<hbm>>) target(%dma_start3A_63 : memref<640x128xf32, #tpu.memory_space<vmem_shared>>) target_semaphore(%run_scoped3A : memref<!tpu.dma_semaphore, #tpu.memory_space<semaphore_mem>>)
      %dma_wait3A_64 = arith.constant 0 : i32
      %dma_wait3A_65 = tpu.memref_slice %arg11[%mul3A_2, %dma_wait3A_64] : memref<10240x128xf32, #tpu.memory_space<vmem_shared>> -> memref<640x128xf32, #tpu.memory_space<vmem_shared>>
      tpu.wait_dma2 semaphore(%run_scoped3A : memref<!tpu.dma_semaphore, #tpu.memory_space<semaphore_mem>>) src(%arg5 : memref<640x128xf32, #tpu.memory_space<hbm>>) dst(%dma_wait3A_65 : memref<640x128xf32, #tpu.memory_space<vmem_shared>>)
      tpu.yield
    }) : () -> ()
    %barrier3A = arith.constant 0 : index
    tpu.barrier barrier_id(%barrier3A)
    "tpu.region"() ({
      %run_scoped3A = tpu.sem_alloc : memref<!tpu.dma_semaphore, #tpu.memory_space<semaphore_mem>>
      %dma_start3A_62 = arith.constant 0 : i32
      %dma_start3A_63 = arith.constant 0 : i32
      %dma_start3A_64 = tpu.memref_slice %arg3[%add3A, %dma_start3A_62, %dma_start3A_63] : memref<32x40x128xi32, #tpu.memory_space<hbm>> -> memref<1x40x128xi32, #tpu.memory_space<hbm>>
      %dma_start3A_65 = tpu.memref_squeeze %dma_start3A_64 : memref<1x40x128xi32, #tpu.memory_space<hbm>> -> memref<40x128xi32, #tpu.memory_space<hbm>>
      %dma_start3A_66 = arith.constant 0 : i32
      %dma_start3A_67 = arith.constant 0 : i32
      %dma_start3A_68 = tpu.memref_slice %arg3[%add3A, %dma_start3A_66, %dma_start3A_67] : memref<32x40x128xi32, #tpu.memory_space<hbm>> -> memref<1x40x128xi32, #tpu.memory_space<hbm>>
      %dma_start3A_69 = tpu.memref_squeeze %dma_start3A_68 : memref<1x40x128xi32, #tpu.memory_space<hbm>> -> memref<40x128xi32, #tpu.memory_space<hbm>>
      tpu.enqueue_dma source(%dma_start3A_69 : memref<40x128xi32, #tpu.memory_space<hbm>>) target(%arg7 : memref<40x128xi32, #tpu.memory_space<vmem>>) target_semaphore(%run_scoped3A : memref<!tpu.dma_semaphore, #tpu.memory_space<semaphore_mem>>)
      %dma_wait3A_70 = arith.constant 0 : i32
      %dma_wait3A_71 = arith.constant 0 : i32
      %dma_wait3A_72 = tpu.memref_slice %arg3[%add3A, %dma_wait3A_70, %dma_wait3A_71] : memref<32x40x128xi32, #tpu.memory_space<hbm>> -> memref<1x40x128xi32, #tpu.memory_space<hbm>>
      %dma_wait3A_73 = tpu.memref_squeeze %dma_wait3A_72 : memref<1x40x128xi32, #tpu.memory_space<hbm>> -> memref<40x128xi32, #tpu.memory_space<hbm>>
      %dma_wait3A_74 = arith.constant 0 : i32
      %dma_wait3A_75 = arith.constant 0 : i32
      %dma_wait3A_76 = tpu.memref_slice %arg3[%add3A, %dma_wait3A_74, %dma_wait3A_75] : memref<32x40x128xi32, #tpu.memory_space<hbm>> -> memref<1x40x128xi32, #tpu.memory_space<hbm>>
      %dma_wait3A_77 = tpu.memref_squeeze %dma_wait3A_76 : memref<1x40x128xi32, #tpu.memory_space<hbm>> -> memref<40x128xi32, #tpu.memory_space<hbm>>
      tpu.wait_dma2 semaphore(%run_scoped3A : memref<!tpu.dma_semaphore, #tpu.memory_space<semaphore_mem>>) src(%dma_wait3A_77 : memref<40x128xi32, #tpu.memory_space<hbm>>) dst(%arg7 : memref<40x128xi32, #tpu.memory_space<vmem>>)
      tpu.yield
    }) : () -> ()
    "tpu.region"() ({
      %run_scoped3A = tpu.sem_alloc : memref<!tpu.dma_semaphore, #tpu.memory_space<semaphore_mem>>
      %dma_start3A_62 = arith.constant 0 : i32
      %dma_start3A_63 = arith.constant 0 : i32
      %dma_start3A_64 = tpu.memref_slice %arg4[%add3A, %dma_start3A_62, %dma_start3A_63] : memref<32x40x128xi32, #tpu.memory_space<hbm>> -> memref<1x40x128xi32, #tpu.memory_space<hbm>>
      %dma_start3A_65 = tpu.memref_squeeze %dma_start3A_64 : memref<1x40x128xi32, #tpu.memory_space<hbm>> -> memref<40x128xi32, #tpu.memory_space<hbm>>
      %dma_start3A_66 = arith.constant 0 : i32
      %dma_start3A_67 = arith.constant 0 : i32
      %dma_start3A_68 = tpu.memref_slice %arg4[%add3A, %dma_start3A_66, %dma_start3A_67] : memref<32x40x128xi32, #tpu.memory_space<hbm>> -> memref<1x40x128xi32, #tpu.memory_space<hbm>>
      %dma_start3A_69 = tpu.memref_squeeze %dma_start3A_68 : memref<1x40x128xi32, #tpu.memory_space<hbm>> -> memref<40x128xi32, #tpu.memory_space<hbm>>
      tpu.enqueue_dma source(%dma_start3A_69 : memref<40x128xi32, #tpu.memory_space<hbm>>) target(%arg8 : memref<40x128xi32, #tpu.memory_space<vmem>>) target_semaphore(%run_scoped3A : memref<!tpu.dma_semaphore, #tpu.memory_space<semaphore_mem>>)
      %dma_wait3A_70 = arith.constant 0 : i32
      %dma_wait3A_71 = arith.constant 0 : i32
      %dma_wait3A_72 = tpu.memref_slice %arg4[%add3A, %dma_wait3A_70, %dma_wait3A_71] : memref<32x40x128xi32, #tpu.memory_space<hbm>> -> memref<1x40x128xi32, #tpu.memory_space<hbm>>
      %dma_wait3A_73 = tpu.memref_squeeze %dma_wait3A_72 : memref<1x40x128xi32, #tpu.memory_space<hbm>> -> memref<40x128xi32, #tpu.memory_space<hbm>>
      %dma_wait3A_74 = arith.constant 0 : i32
      %dma_wait3A_75 = arith.constant 0 : i32
      %dma_wait3A_76 = tpu.memref_slice %arg4[%add3A, %dma_wait3A_74, %dma_wait3A_75] : memref<32x40x128xi32, #tpu.memory_space<hbm>> -> memref<1x40x128xi32, #tpu.memory_space<hbm>>
      %dma_wait3A_77 = tpu.memref_squeeze %dma_wait3A_76 : memref<1x40x128xi32, #tpu.memory_space<hbm>> -> memref<40x128xi32, #tpu.memory_space<hbm>>
      tpu.wait_dma2 semaphore(%run_scoped3A : memref<!tpu.dma_semaphore, #tpu.memory_space<semaphore_mem>>) src(%dma_wait3A_77 : memref<40x128xi32, #tpu.memory_space<hbm>>) dst(%arg8 : memref<40x128xi32, #tpu.memory_space<vmem>>)
      tpu.yield
    }) : () -> ()
    %dma_start3A = arith.constant 0 : i32
    %dma_start3A_3 = arith.constant 0 : i32
    %dma_start3A_4 = tpu.memref_slice %arg7[%dma_start3A, %dma_start3A_3] : memref<40x128xi32, #tpu.memory_space<vmem>> -> memref<1x128xi32, #tpu.memory_space<vmem>>
    %dma_start3A_5 = tpu.memref_squeeze %dma_start3A_4 : memref<1x128xi32, #tpu.memory_space<vmem>> -> memref<128xi32, #tpu.memory_space<vmem>>
    %dma_start3A_6 = arith.constant 0 : i32
    %dma_start3A_7 = arith.constant 0 : i32
    %dma_start3A_8 = tpu.memref_slice %arg2[%dma_start3A_6, %dma_start3A_7] : memref<10240x128xf32, #tpu.memory_space<hbm>> -> memref<10240x128xf32, #tpu.memory_space<hbm>>
    tpu.enqueue_indirect_dma source(%dma_start3A_8 : memref<10240x128xf32, #tpu.memory_space<hbm>>) target(%arg9 : memref<128x128xf32, #tpu.memory_space<vmem>>) offsets(%dma_start3A_5 : memref<128xi32, #tpu.memory_space<vmem>>) semaphore(%arg12 : memref<!tpu.dma_semaphore, #tpu.memory_space<semaphore_mem>>)
    %dma_start3A_9 = arith.constant 1 : i32
    %dma_start3A_10 = arith.constant 0 : i32
    %dma_start3A_11 = tpu.memref_slice %arg7[%dma_start3A_9, %dma_start3A_10] : memref<40x128xi32, #tpu.memory_space<vmem>> -> memref<1x128xi32, #tpu.memory_space<vmem>>
    %dma_start3A_12 = tpu.memref_squeeze %dma_start3A_11 : memref<1x128xi32, #tpu.memory_space<vmem>> -> memref<128xi32, #tpu.memory_space<vmem>>
    %dma_start3A_13 = arith.constant 0 : i32
    %dma_start3A_14 = arith.constant 0 : i32
    %dma_start3A_15 = tpu.memref_slice %arg2[%dma_start3A_13, %dma_start3A_14] : memref<10240x128xf32, #tpu.memory_space<hbm>> -> memref<10240x128xf32, #tpu.memory_space<hbm>>
    tpu.enqueue_indirect_dma source(%dma_start3A_15 : memref<10240x128xf32, #tpu.memory_space<hbm>>) target(%arg10 : memref<128x128xf32, #tpu.memory_space<vmem>>) offsets(%dma_start3A_12 : memref<128xi32, #tpu.memory_space<vmem>>) semaphore(%arg13 : memref<!tpu.dma_semaphore, #tpu.memory_space<semaphore_mem>>)
    %scan3A = arith.constant 0 : i32
    %scan3A_16 = arith.constant 19 : i32
    %scan3A_17 = arith.addi %scan3A, %scan3A_16 : i32
    %scan3A_18 = arith.constant 1 : i32
    scf.for %scan3A_62 = %scan3A to %scan3A_17 step %scan3A_18  : i32 {
      %mul3A_63 = arith.constant 1 : i32
      %mul3A_64 = arith.muli %scan3A_62, %mul3A_63 : i32
      %add3A_65 = arith.constant 0 : i32
      %add3A_66 = arith.addi %add3A_65, %mul3A_64 : i32
      %mul3A_67 = arith.constant 2 : i32
      %mul3A_68 = arith.muli %mul3A_67, %add3A_66 : i32
      %dma_wait3A_69 = arith.constant 0 : i32
      %dma_wait3A_70 = arith.constant 0 : i32
      %dma_wait3A_71 = tpu.memref_slice %arg7[%dma_wait3A_69, %dma_wait3A_70] : memref<40x128xi32, #tpu.memory_space<vmem>> -> memref<1x128xi32, #tpu.memory_space<vmem>>
      %dma_wait3A_72 = tpu.memref_squeeze %dma_wait3A_71 : memref<1x128xi32, #tpu.memory_space<vmem>> -> memref<128xi32, #tpu.memory_space<vmem>>
      %dma_wait3A_73 = arith.constant 0 : i32
      %dma_wait3A_74 = arith.constant 0 : i32
      %dma_wait3A_75 = tpu.memref_slice %arg2[%dma_wait3A_73, %dma_wait3A_74] : memref<10240x128xf32, #tpu.memory_space<hbm>> -> memref<10240x128xf32, #tpu.memory_space<hbm>>
      tpu.wait_indirect_dma semaphore(%arg12 : memref<!tpu.dma_semaphore, #tpu.memory_space<semaphore_mem>>) src(%dma_wait3A_75 : memref<10240x128xf32, #tpu.memory_space<hbm>>) dst(%arg9 : memref<128x128xf32, #tpu.memory_space<vmem>>)
      %dma_start3A_76 = arith.constant 0 : i32
      %dma_start3A_77 = tpu.memref_slice %arg8[%mul3A_68, %dma_start3A_76] : memref<40x128xi32, #tpu.memory_space<vmem>> -> memref<1x128xi32, #tpu.memory_space<vmem>>
      %dma_start3A_78 = tpu.memref_squeeze %dma_start3A_77 : memref<1x128xi32, #tpu.memory_space<vmem>> -> memref<128xi32, #tpu.memory_space<vmem>>
      %dma_start3A_79 = arith.constant 0 : i32
      %dma_start3A_80 = arith.constant 0 : i32
      %dma_start3A_81 = tpu.memref_slice %arg11[%dma_start3A_79, %dma_start3A_80] : memref<10240x128xf32, #tpu.memory_space<vmem_shared>> -> memref<10240x128xf32, #tpu.memory_space<vmem_shared>>
      tpu.enqueue_indirect_dma source(%arg9 : memref<128x128xf32, #tpu.memory_space<vmem>>) target(%dma_start3A_81 : memref<10240x128xf32, #tpu.memory_space<vmem_shared>>) offsets(%dma_start3A_78 : memref<128xi32, #tpu.memory_space<vmem>>) semaphore(%arg14 : memref<!tpu.dma_semaphore, #tpu.memory_space<semaphore_mem>>) {add = true}
      %dma_wait3A_82 = arith.constant 0 : i32
      %dma_wait3A_83 = arith.constant 0 : i32
      %dma_wait3A_84 = tpu.memref_slice %arg7[%dma_wait3A_82, %dma_wait3A_83] : memref<40x128xi32, #tpu.memory_space<vmem>> -> memref<1x128xi32, #tpu.memory_space<vmem>>
      %dma_wait3A_85 = tpu.memref_squeeze %dma_wait3A_84 : memref<1x128xi32, #tpu.memory_space<vmem>> -> memref<128xi32, #tpu.memory_space<vmem>>
      %dma_wait3A_86 = arith.constant 0 : i32
      %dma_wait3A_87 = arith.constant 0 : i32
      %dma_wait3A_88 = tpu.memref_slice %arg2[%dma_wait3A_86, %dma_wait3A_87] : memref<10240x128xf32, #tpu.memory_space<hbm>> -> memref<10240x128xf32, #tpu.memory_space<hbm>>
      tpu.wait_indirect_dma semaphore(%arg13 : memref<!tpu.dma_semaphore, #tpu.memory_space<semaphore_mem>>) src(%dma_wait3A_88 : memref<10240x128xf32, #tpu.memory_space<hbm>>) dst(%arg10 : memref<128x128xf32, #tpu.memory_space<vmem>>)
      %add3A_89 = arith.constant 1 : i32
      %add3A_90 = arith.addi %mul3A_68, %add3A_89 : i32
      %dma_start3A_91 = arith.constant 0 : i32
      %dma_start3A_92 = tpu.memref_slice %arg8[%add3A_90, %dma_start3A_91] : memref<40x128xi32, #tpu.memory_space<vmem>> -> memref<1x128xi32, #tpu.memory_space<vmem>>
      %dma_start3A_93 = tpu.memref_squeeze %dma_start3A_92 : memref<1x128xi32, #tpu.memory_space<vmem>> -> memref<128xi32, #tpu.memory_space<vmem>>
      %dma_start3A_94 = arith.constant 0 : i32
      %dma_start3A_95 = arith.constant 0 : i32
      %dma_start3A_96 = tpu.memref_slice %arg11[%dma_start3A_94, %dma_start3A_95] : memref<10240x128xf32, #tpu.memory_space<vmem_shared>> -> memref<10240x128xf32, #tpu.memory_space<vmem_shared>>
      tpu.enqueue_indirect_dma source(%arg10 : memref<128x128xf32, #tpu.memory_space<vmem>>) target(%dma_start3A_96 : memref<10240x128xf32, #tpu.memory_space<vmem_shared>>) offsets(%dma_start3A_93 : memref<128xi32, #tpu.memory_space<vmem>>) semaphore(%arg15 : memref<!tpu.dma_semaphore, #tpu.memory_space<semaphore_mem>>) {add = true}
      %dma_wait3A_97 = arith.constant 0 : i32
      %dma_wait3A_98 = arith.constant 0 : i32
      %dma_wait3A_99 = tpu.memref_slice %arg8[%dma_wait3A_97, %dma_wait3A_98] : memref<40x128xi32, #tpu.memory_space<vmem>> -> memref<1x128xi32, #tpu.memory_space<vmem>>
      %dma_wait3A_100 = tpu.memref_squeeze %dma_wait3A_99 : memref<1x128xi32, #tpu.memory_space<vmem>> -> memref<128xi32, #tpu.memory_space<vmem>>
      %dma_wait3A_101 = arith.constant 0 : i32
      %dma_wait3A_102 = arith.constant 0 : i32
      %dma_wait3A_103 = tpu.memref_slice %arg11[%dma_wait3A_101, %dma_wait3A_102] : memref<10240x128xf32, #tpu.memory_space<vmem_shared>> -> memref<10240x128xf32, #tpu.memory_space<vmem_shared>>
      tpu.wait_indirect_dma semaphore(%arg14 : memref<!tpu.dma_semaphore, #tpu.memory_space<semaphore_mem>>) src(%arg9 : memref<128x128xf32, #tpu.memory_space<vmem>>) dst(%dma_wait3A_103 : memref<10240x128xf32, #tpu.memory_space<vmem_shared>>)
      %add3A_104 = arith.constant 2 : i32
      %add3A_105 = arith.addi %mul3A_68, %add3A_104 : i32
      %dma_start3A_106 = arith.constant 0 : i32
      %dma_start3A_107 = tpu.memref_slice %arg7[%add3A_105, %dma_start3A_106] : memref<40x128xi32, #tpu.memory_space<vmem>> -> memref<1x128xi32, #tpu.memory_space<vmem>>
      %dma_start3A_108 = tpu.memref_squeeze %dma_start3A_107 : memref<1x128xi32, #tpu.memory_space<vmem>> -> memref<128xi32, #tpu.memory_space<vmem>>
      %dma_start3A_109 = arith.constant 0 : i32
      %dma_start3A_110 = arith.constant 0 : i32
      %dma_start3A_111 = tpu.memref_slice %arg2[%dma_start3A_109, %dma_start3A_110] : memref<10240x128xf32, #tpu.memory_space<hbm>> -> memref<10240x128xf32, #tpu.memory_space<hbm>>
      tpu.enqueue_indirect_dma source(%dma_start3A_111 : memref<10240x128xf32, #tpu.memory_space<hbm>>) target(%arg9 : memref<128x128xf32, #tpu.memory_space<vmem>>) offsets(%dma_start3A_108 : memref<128xi32, #tpu.memory_space<vmem>>) semaphore(%arg12 : memref<!tpu.dma_semaphore, #tpu.memory_space<semaphore_mem>>)
      %dma_wait3A_112 = arith.constant 0 : i32
      %dma_wait3A_113 = arith.constant 0 : i32
      %dma_wait3A_114 = tpu.memref_slice %arg8[%dma_wait3A_112, %dma_wait3A_113] : memref<40x128xi32, #tpu.memory_space<vmem>> -> memref<1x128xi32, #tpu.memory_space<vmem>>
      %dma_wait3A_115 = tpu.memref_squeeze %dma_wait3A_114 : memref<1x128xi32, #tpu.memory_space<vmem>> -> memref<128xi32, #tpu.memory_space<vmem>>
      %dma_wait3A_116 = arith.constant 0 : i32
      %dma_wait3A_117 = arith.constant 0 : i32
      %dma_wait3A_118 = tpu.memref_slice %arg11[%dma_wait3A_116, %dma_wait3A_117] : memref<10240x128xf32, #tpu.memory_space<vmem_shared>> -> memref<10240x128xf32, #tpu.memory_space<vmem_shared>>
      tpu.wait_indirect_dma semaphore(%arg15 : memref<!tpu.dma_semaphore, #tpu.memory_space<semaphore_mem>>) src(%arg10 : memref<128x128xf32, #tpu.memory_space<vmem>>) dst(%dma_wait3A_118 : memref<10240x128xf32, #tpu.memory_space<vmem_shared>>)
      %add3A_119 = arith.constant 3 : i32
      %add3A_120 = arith.addi %mul3A_68, %add3A_119 : i32
      %dma_start3A_121 = arith.constant 0 : i32
      %dma_start3A_122 = tpu.memref_slice %arg7[%add3A_120, %dma_start3A_121] : memref<40x128xi32, #tpu.memory_space<vmem>> -> memref<1x128xi32, #tpu.memory_space<vmem>>
      %dma_start3A_123 = tpu.memref_squeeze %dma_start3A_122 : memref<1x128xi32, #tpu.memory_space<vmem>> -> memref<128xi32, #tpu.memory_space<vmem>>
      %dma_start3A_124 = arith.constant 0 : i32
      %dma_start3A_125 = arith.constant 0 : i32
      %dma_start3A_126 = tpu.memref_slice %arg2[%dma_start3A_124, %dma_start3A_125] : memref<10240x128xf32, #tpu.memory_space<hbm>> -> memref<10240x128xf32, #tpu.memory_space<hbm>>
      tpu.enqueue_indirect_dma source(%dma_start3A_126 : memref<10240x128xf32, #tpu.memory_space<hbm>>) target(%arg10 : memref<128x128xf32, #tpu.memory_space<vmem>>) offsets(%dma_start3A_123 : memref<128xi32, #tpu.memory_space<vmem>>) semaphore(%arg13 : memref<!tpu.dma_semaphore, #tpu.memory_space<semaphore_mem>>)
    }
    %scan3A_19 = arith.constant 19 : i32
    %dma_wait3A = arith.constant 0 : i32
    %dma_wait3A_20 = arith.constant 0 : i32
    %dma_wait3A_21 = tpu.memref_slice %arg7[%dma_wait3A, %dma_wait3A_20] : memref<40x128xi32, #tpu.memory_space<vmem>> -> memref<1x128xi32, #tpu.memory_space<vmem>>
    %dma_wait3A_22 = tpu.memref_squeeze %dma_wait3A_21 : memref<1x128xi32, #tpu.memory_space<vmem>> -> memref<128xi32, #tpu.memory_space<vmem>>
    %dma_wait3A_23 = arith.constant 0 : i32
    %dma_wait3A_24 = arith.constant 0 : i32
    %dma_wait3A_25 = tpu.memref_slice %arg2[%dma_wait3A_23, %dma_wait3A_24] : memref<10240x128xf32, #tpu.memory_space<hbm>> -> memref<10240x128xf32, #tpu.memory_space<hbm>>
    tpu.wait_indirect_dma semaphore(%arg12 : memref<!tpu.dma_semaphore, #tpu.memory_space<semaphore_mem>>) src(%dma_wait3A_25 : memref<10240x128xf32, #tpu.memory_space<hbm>>) dst(%arg9 : memref<128x128xf32, #tpu.memory_space<vmem>>)
    %dma_start3A_26 = arith.constant 38 : i32
    %dma_start3A_27 = arith.constant 0 : i32
    %dma_start3A_28 = tpu.memref_slice %arg8[%dma_start3A_26, %dma_start3A_27] : memref<40x128xi32, #tpu.memory_space<vmem>> -> memref<1x128xi32, #tpu.memory_space<vmem>>
    %dma_start3A_29 = tpu.memref_squeeze %dma_start3A_28 : memref<1x128xi32, #tpu.memory_space<vmem>> -> memref<128xi32, #tpu.memory_space<vmem>>
    %dma_start3A_30 = arith.constant 0 : i32
    %dma_start3A_31 = arith.constant 0 : i32
    %dma_start3A_32 = tpu.memref_slice %arg11[%dma_start3A_30, %dma_start3A_31] : memref<10240x128xf32, #tpu.memory_space<vmem_shared>> -> memref<10240x128xf32, #tpu.memory_space<vmem_shared>>
    tpu.enqueue_indirect_dma source(%arg9 : memref<128x128xf32, #tpu.memory_space<vmem>>) target(%dma_start3A_32 : memref<10240x128xf32, #tpu.memory_space<vmem_shared>>) offsets(%dma_start3A_29 : memref<128xi32, #tpu.memory_space<vmem>>) semaphore(%arg14 : memref<!tpu.dma_semaphore, #tpu.memory_space<semaphore_mem>>) {add = true}
    %dma_wait3A_33 = arith.constant 0 : i32
    %dma_wait3A_34 = arith.constant 0 : i32
    %dma_wait3A_35 = tpu.memref_slice %arg7[%dma_wait3A_33, %dma_wait3A_34] : memref<40x128xi32, #tpu.memory_space<vmem>> -> memref<1x128xi32, #tpu.memory_space<vmem>>
    %dma_wait3A_36 = tpu.memref_squeeze %dma_wait3A_35 : memref<1x128xi32, #tpu.memory_space<vmem>> -> memref<128xi32, #tpu.memory_space<vmem>>
    %dma_wait3A_37 = arith.constant 0 : i32
    %dma_wait3A_38 = arith.constant 0 : i32
    %dma_wait3A_39 = tpu.memref_slice %arg2[%dma_wait3A_37, %dma_wait3A_38] : memref<10240x128xf32, #tpu.memory_space<hbm>> -> memref<10240x128xf32, #tpu.memory_space<hbm>>
    tpu.wait_indirect_dma semaphore(%arg13 : memref<!tpu.dma_semaphore, #tpu.memory_space<semaphore_mem>>) src(%dma_wait3A_39 : memref<10240x128xf32, #tpu.memory_space<hbm>>) dst(%arg10 : memref<128x128xf32, #tpu.memory_space<vmem>>)
    %dma_start3A_40 = arith.constant 39 : i32
    %dma_start3A_41 = arith.constant 0 : i32
    %dma_start3A_42 = tpu.memref_slice %arg8[%dma_start3A_40, %dma_start3A_41] : memref<40x128xi32, #tpu.memory_space<vmem>> -> memref<1x128xi32, #tpu.memory_space<vmem>>
    %dma_start3A_43 = tpu.memref_squeeze %dma_start3A_42 : memref<1x128xi32, #tpu.memory_space<vmem>> -> memref<128xi32, #tpu.memory_space<vmem>>
    %dma_start3A_44 = arith.constant 0 : i32
    %dma_start3A_45 = arith.constant 0 : i32
    %dma_start3A_46 = tpu.memref_slice %arg11[%dma_start3A_44, %dma_start3A_45] : memref<10240x128xf32, #tpu.memory_space<vmem_shared>> -> memref<10240x128xf32, #tpu.memory_space<vmem_shared>>
    tpu.enqueue_indirect_dma source(%arg10 : memref<128x128xf32, #tpu.memory_space<vmem>>) target(%dma_start3A_46 : memref<10240x128xf32, #tpu.memory_space<vmem_shared>>) offsets(%dma_start3A_43 : memref<128xi32, #tpu.memory_space<vmem>>) semaphore(%arg15 : memref<!tpu.dma_semaphore, #tpu.memory_space<semaphore_mem>>) {add = true}
    %dma_wait3A_47 = arith.constant 0 : i32
    %dma_wait3A_48 = arith.constant 0 : i32
    %dma_wait3A_49 = tpu.memref_slice %arg8[%dma_wait3A_47, %dma_wait3A_48] : memref<40x128xi32, #tpu.memory_space<vmem>> -> memref<1x128xi32, #tpu.memory_space<vmem>>
    %dma_wait3A_50 = tpu.memref_squeeze %dma_wait3A_49 : memref<1x128xi32, #tpu.memory_space<vmem>> -> memref<128xi32, #tpu.memory_space<vmem>>
    %dma_wait3A_51 = arith.constant 0 : i32
    %dma_wait3A_52 = arith.constant 0 : i32
    %dma_wait3A_53 = tpu.memref_slice %arg11[%dma_wait3A_51, %dma_wait3A_52] : memref<10240x128xf32, #tpu.memory_space<vmem_shared>> -> memref<10240x128xf32, #tpu.memory_space<vmem_shared>>
    tpu.wait_indirect_dma semaphore(%arg14 : memref<!tpu.dma_semaphore, #tpu.memory_space<semaphore_mem>>) src(%arg9 : memref<128x128xf32, #tpu.memory_space<vmem>>) dst(%dma_wait3A_53 : memref<10240x128xf32, #tpu.memory_space<vmem_shared>>)
    %dma_wait3A_54 = arith.constant 0 : i32
    %dma_wait3A_55 = arith.constant 0 : i32
    %dma_wait3A_56 = tpu.memref_slice %arg8[%dma_wait3A_54, %dma_wait3A_55] : memref<40x128xi32, #tpu.memory_space<vmem>> -> memref<1x128xi32, #tpu.memory_space<vmem>>
    %dma_wait3A_57 = tpu.memref_squeeze %dma_wait3A_56 : memref<1x128xi32, #tpu.memory_space<vmem>> -> memref<128xi32, #tpu.memory_space<vmem>>
    %dma_wait3A_58 = arith.constant 0 : i32
    %dma_wait3A_59 = arith.constant 0 : i32
    %dma_wait3A_60 = tpu.memref_slice %arg11[%dma_wait3A_58, %dma_wait3A_59] : memref<10240x128xf32, #tpu.memory_space<vmem_shared>> -> memref<10240x128xf32, #tpu.memory_space<vmem_shared>>
    tpu.wait_indirect_dma semaphore(%arg15 : memref<!tpu.dma_semaphore, #tpu.memory_space<semaphore_mem>>) src(%arg10 : memref<128x128xf32, #tpu.memory_space<vmem>>) dst(%dma_wait3A_60 : memref<10240x128xf32, #tpu.memory_space<vmem_shared>>)
    %barrier3A_61 = arith.constant 0 : index
    tpu.barrier barrier_id(%barrier3A_61)
    "tpu.region"() ({
      %run_scoped3A = tpu.sem_alloc : memref<!tpu.dma_semaphore, #tpu.memory_space<semaphore_mem>>
      %dma_start3A_62 = arith.constant 0 : i32
      %dma_start3A_63 = arith.constant 0 : i32
      %dma_start3A_64 = tpu.memref_slice %arg6[%arg0, %dma_start3A_62, %dma_start3A_63] : memref<2x10240x128xf32, #tpu.memory_space<hbm>> -> memref<1x10240x128xf32, #tpu.memory_space<hbm>>
      %dma_start3A_65 = tpu.memref_squeeze %dma_start3A_64 : memref<1x10240x128xf32, #tpu.memory_space<hbm>> -> memref<10240x128xf32, #tpu.memory_space<hbm>>
      %dma_start3A_66 = arith.constant 0 : i32
      %dma_start3A_67 = tpu.memref_slice %dma_start3A_65[%mul3A_2, %dma_start3A_66] : memref<10240x128xf32, #tpu.memory_space<hbm>> -> memref<640x128xf32, #tpu.memory_space<hbm>>
      %dma_start3A_68 = arith.constant 0 : i32
      %dma_start3A_69 = tpu.memref_slice %arg11[%mul3A_2, %dma_start3A_68] : memref<10240x128xf32, #tpu.memory_space<vmem_shared>> -> memref<640x128xf32, #tpu.memory_space<vmem_shared>>
      tpu.enqueue_dma source(%dma_start3A_69 : memref<640x128xf32, #tpu.memory_space<vmem_shared>>) target(%dma_start3A_67 : memref<640x128xf32, #tpu.memory_space<hbm>>) target_semaphore(%run_scoped3A : memref<!tpu.dma_semaphore, #tpu.memory_space<semaphore_mem>>)
      %dma_wait3A_70 = arith.constant 0 : i32
      %dma_wait3A_71 = arith.constant 0 : i32
      %dma_wait3A_72 = tpu.memref_slice %arg6[%arg0, %dma_wait3A_70, %dma_wait3A_71] : memref<2x10240x128xf32, #tpu.memory_space<hbm>> -> memref<1x10240x128xf32, #tpu.memory_space<hbm>>
      %dma_wait3A_73 = tpu.memref_squeeze %dma_wait3A_72 : memref<1x10240x128xf32, #tpu.memory_space<hbm>> -> memref<10240x128xf32, #tpu.memory_space<hbm>>
      %dma_wait3A_74 = arith.constant 0 : i32
      %dma_wait3A_75 = tpu.memref_slice %dma_wait3A_73[%mul3A_2, %dma_wait3A_74] : memref<10240x128xf32, #tpu.memory_space<hbm>> -> memref<640x128xf32, #tpu.memory_space<hbm>>
      %dma_wait3A_76 = arith.constant 0 : i32
      %dma_wait3A_77 = tpu.memref_slice %arg11[%mul3A_2, %dma_wait3A_76] : memref<10240x128xf32, #tpu.memory_space<vmem_shared>> -> memref<640x128xf32, #tpu.memory_space<vmem_shared>>
      tpu.wait_dma2 semaphore(%run_scoped3A : memref<!tpu.dma_semaphore, #tpu.memory_space<semaphore_mem>>) src(%dma_wait3A_77 : memref<640x128xf32, #tpu.memory_space<vmem_shared>>) dst(%dma_wait3A_75 : memref<640x128xf32, #tpu.memory_space<hbm>>)
      tpu.yield
    }) : () -> ()
    return
  }
}

#map = affine_map<(d0, d1) -> (0, 0, 0)>
#map1 = affine_map<(d0, d1) -> (0, 0)>
module attributes {stable_mosaic.version = 14 : i64} {
  func.func @sc_kernel(%arg0: i32, %arg1: i32, %arg2: memref<32x40x128xi32, #tpu.memory_space<hbm>>, %arg3: memref<32x10240xf32, #tpu.memory_space<hbm>>, %arg4: memref<40x128xi32, #tpu.memory_space<vmem>>, %arg5: memref<10240xf32, #tpu.memory_space<vmem>>) attributes {dimension_semantics = [#tpu.dimension_semantics<core_parallel>, #tpu.dimension_semantics<subcore_parallel>], iteration_bounds = array<i64: 2, 16>, scalar_prefetch = 0 : i64, scratch_operands = 2 : i64, tpu.core_type = #tpu.core_type<sc_vector_subcore>, window_params = [{transform_indices = #map}, {transform_indices = #map1}]} {
    %mul3A = arith.constant 16 : i32
    %mul3A_0 = arith.muli %arg0, %mul3A : i32
    %add3A = arith.addi %mul3A_0, %arg1 : i32
    %scan3A = arith.constant 0 : i32
    %scan3A_1 = arith.constant 640 : i32
    %scan3A_2 = arith.addi %scan3A, %scan3A_1 : i32
    %scan3A_3 = arith.constant 1 : i32
    scf.for %scan3A_10 = %scan3A to %scan3A_2 step %scan3A_3  : i32 {
      %mul3A_11 = arith.constant 1 : i32
      %mul3A_12 = arith.muli %scan3A_10, %mul3A_11 : i32
      %add3A_13 = arith.constant 0 : i32
      %add3A_14 = arith.addi %add3A_13, %mul3A_12 : i32
      %broadcast_in_dim3A = arith.constant 0.000000e+00 : f32
      %broadcast_in_dim3A_15 = vector.broadcast %broadcast_in_dim3A : f32 to vector<16xf32>
      %mul3A_16 = arith.constant 16 : i32
      %mul3A_17 = arith.muli %add3A_14, %mul3A_16 : i32
      %swap3A = arith.index_cast %mul3A_17 : i32 to index
      %swap3A_18 = tpu.vector_load %arg5[%swap3A] {strides = array<i32>} : memref<10240xf32, #tpu.memory_space<vmem>>, vector<16xf32>,
      tpu.vector_store %arg5[%swap3A], %broadcast_in_dim3A_15 {strides = array<i32>} : memref<10240xf32, #tpu.memory_space<vmem>>, vector<16xf32>,
    }
    %scan3A_4 = arith.constant 640 : i32
    "tpu.region"() ({
      %run_scoped3A = tpu.sem_alloc : memref<!tpu.dma_semaphore, #tpu.memory_space<semaphore_mem>>
      %dma_start3A = arith.constant 0 : i32
      %dma_start3A_10 = arith.constant 0 : i32
      %dma_start3A_11 = tpu.memref_slice %arg2[%add3A, %dma_start3A, %dma_start3A_10] : memref<32x40x128xi32, #tpu.memory_space<hbm>> -> memref<1x40x128xi32, #tpu.memory_space<hbm>>
      %dma_start3A_12 = tpu.memref_squeeze %dma_start3A_11 : memref<1x40x128xi32, #tpu.memory_space<hbm>> -> memref<40x128xi32, #tpu.memory_space<hbm>>
      %dma_start3A_13 = arith.constant 0 : i32
      %dma_start3A_14 = arith.constant 0 : i32
      %dma_start3A_15 = tpu.memref_slice %arg2[%add3A, %dma_start3A_13, %dma_start3A_14] : memref<32x40x128xi32, #tpu.memory_space<hbm>> -> memref<1x40x128xi32, #tpu.memory_space<hbm>>
      %dma_start3A_16 = tpu.memref_squeeze %dma_start3A_15 : memref<1x40x128xi32, #tpu.memory_space<hbm>> -> memref<40x128xi32, #tpu.memory_space<hbm>>
      tpu.enqueue_dma source(%dma_start3A_16 : memref<40x128xi32, #tpu.memory_space<hbm>>) target(%arg4 : memref<40x128xi32, #tpu.memory_space<vmem>>) target_semaphore(%run_scoped3A : memref<!tpu.dma_semaphore, #tpu.memory_space<semaphore_mem>>)
      %dma_wait3A = arith.constant 0 : i32
      %dma_wait3A_17 = arith.constant 0 : i32
      %dma_wait3A_18 = tpu.memref_slice %arg2[%add3A, %dma_wait3A, %dma_wait3A_17] : memref<32x40x128xi32, #tpu.memory_space<hbm>> -> memref<1x40x128xi32, #tpu.memory_space<hbm>>
      %dma_wait3A_19 = tpu.memref_squeeze %dma_wait3A_18 : memref<1x40x128xi32, #tpu.memory_space<hbm>> -> memref<40x128xi32, #tpu.memory_space<hbm>>
      %dma_wait3A_20 = arith.constant 0 : i32
      %dma_wait3A_21 = arith.constant 0 : i32
      %dma_wait3A_22 = tpu.memref_slice %arg2[%add3A, %dma_wait3A_20, %dma_wait3A_21] : memref<32x40x128xi32, #tpu.memory_space<hbm>> -> memref<1x40x128xi32, #tpu.memory_space<hbm>>
      %dma_wait3A_23 = tpu.memref_squeeze %dma_wait3A_22 : memref<1x40x128xi32, #tpu.memory_space<hbm>> -> memref<40x128xi32, #tpu.memory_space<hbm>>
      tpu.wait_dma2 semaphore(%run_scoped3A : memref<!tpu.dma_semaphore, #tpu.memory_space<semaphore_mem>>) src(%dma_wait3A_23 : memref<40x128xi32, #tpu.memory_space<hbm>>) dst(%arg4 : memref<40x128xi32, #tpu.memory_space<vmem>>)
      tpu.yield
    }) : () -> ()
    %scan3A_5 = arith.constant 0 : i32
    %scan3A_6 = arith.constant 40 : i32
    %scan3A_7 = arith.addi %scan3A_5, %scan3A_6 : i32
    %scan3A_8 = arith.constant 1 : i32
    scf.for %scan3A_10 = %scan3A_5 to %scan3A_7 step %scan3A_8  : i32 {
      %mul3A_11 = arith.constant 1 : i32
      %mul3A_12 = arith.muli %scan3A_10, %mul3A_11 : i32
      %add3A_13 = arith.constant 0 : i32
      %add3A_14 = arith.addi %add3A_13, %mul3A_12 : i32
      %get3A = arith.index_cast %add3A_14 : i32 to index
      %get3A_15 = arith.constant 0 : index
      %get3A_16 = tpu.vector_load %arg4[%get3A, %get3A_15] {strides = array<i32>} : memref<40x128xi32, #tpu.memory_space<vmem>>, vector<16xi32>,
      %broadcast_in_dim3A = arith.constant 1.000000e+00 : f32
      %broadcast_in_dim3A_17 = vector.broadcast %broadcast_in_dim3A : f32 to vector<16xf32>
      tpu.vector_store_idx %arg5[%get3A_16], %broadcast_in_dim3A_17 {add = true} : memref<10240xf32, #tpu.memory_space<vmem>>[vector<16xi32>], vector<16xf32>,
      %get3A_18 = arith.index_cast %add3A_14 : i32 to index
      %get3A_19 = arith.constant 16 : index
      %get3A_20 = tpu.vector_load %arg4[%get3A_18, %get3A_19] {strides = array<i32>} : memref<40x128xi32, #tpu.memory_space<vmem>>, vector<16xi32>,
      %broadcast_in_dim3A_21 = arith.constant 1.000000e+00 : f32
      %broadcast_in_dim3A_22 = vector.broadcast %broadcast_in_dim3A_21 : f32 to vector<16xf32>
      tpu.vector_store_idx %arg5[%get3A_20], %broadcast_in_dim3A_22 {add = true} : memref<10240xf32, #tpu.memory_space<vmem>>[vector<16xi32>], vector<16xf32>,
      %get3A_23 = arith.index_cast %add3A_14 : i32 to index
      %get3A_24 = arith.constant 32 : index
      %get3A_25 = tpu.vector_load %arg4[%get3A_23, %get3A_24] {strides = array<i32>} : memref<40x128xi32, #tpu.memory_space<vmem>>, vector<16xi32>,
      %broadcast_in_dim3A_26 = arith.constant 1.000000e+00 : f32
      %broadcast_in_dim3A_27 = vector.broadcast %broadcast_in_dim3A_26 : f32 to vector<16xf32>
      tpu.vector_store_idx %arg5[%get3A_25], %broadcast_in_dim3A_27 {add = true} : memref<10240xf32, #tpu.memory_space<vmem>>[vector<16xi32>], vector<16xf32>,
      %get3A_28 = arith.index_cast %add3A_14 : i32 to index
      %get3A_29 = arith.constant 48 : index
      %get3A_30 = tpu.vector_load %arg4[%get3A_28, %get3A_29] {strides = array<i32>} : memref<40x128xi32, #tpu.memory_space<vmem>>, vector<16xi32>,
      %broadcast_in_dim3A_31 = arith.constant 1.000000e+00 : f32
      %broadcast_in_dim3A_32 = vector.broadcast %broadcast_in_dim3A_31 : f32 to vector<16xf32>
      tpu.vector_store_idx %arg5[%get3A_30], %broadcast_in_dim3A_32 {add = true} : memref<10240xf32, #tpu.memory_space<vmem>>[vector<16xi32>], vector<16xf32>,
      %get3A_33 = arith.index_cast %add3A_14 : i32 to index
      %get3A_34 = arith.constant 64 : index
      %get3A_35 = tpu.vector_load %arg4[%get3A_33, %get3A_34] {strides = array<i32>} : memref<40x128xi32, #tpu.memory_space<vmem>>, vector<16xi32>,
      %broadcast_in_dim3A_36 = arith.constant 1.000000e+00 : f32
      %broadcast_in_dim3A_37 = vector.broadcast %broadcast_in_dim3A_36 : f32 to vector<16xf32>
      tpu.vector_store_idx %arg5[%get3A_35], %broadcast_in_dim3A_37 {add = true} : memref<10240xf32, #tpu.memory_space<vmem>>[vector<16xi32>], vector<16xf32>,
      %get3A_38 = arith.index_cast %add3A_14 : i32 to index
      %get3A_39 = arith.constant 80 : index
      %get3A_40 = tpu.vector_load %arg4[%get3A_38, %get3A_39] {strides = array<i32>} : memref<40x128xi32, #tpu.memory_space<vmem>>, vector<16xi32>,
      %broadcast_in_dim3A_41 = arith.constant 1.000000e+00 : f32
      %broadcast_in_dim3A_42 = vector.broadcast %broadcast_in_dim3A_41 : f32 to vector<16xf32>
      tpu.vector_store_idx %arg5[%get3A_40], %broadcast_in_dim3A_42 {add = true} : memref<10240xf32, #tpu.memory_space<vmem>>[vector<16xi32>], vector<16xf32>,
      %get3A_43 = arith.index_cast %add3A_14 : i32 to index
      %get3A_44 = arith.constant 96 : index
      %get3A_45 = tpu.vector_load %arg4[%get3A_43, %get3A_44] {strides = array<i32>} : memref<40x128xi32, #tpu.memory_space<vmem>>, vector<16xi32>,
      %broadcast_in_dim3A_46 = arith.constant 1.000000e+00 : f32
      %broadcast_in_dim3A_47 = vector.broadcast %broadcast_in_dim3A_46 : f32 to vector<16xf32>
      tpu.vector_store_idx %arg5[%get3A_45], %broadcast_in_dim3A_47 {add = true} : memref<10240xf32, #tpu.memory_space<vmem>>[vector<16xi32>], vector<16xf32>,
      %get3A_48 = arith.index_cast %add3A_14 : i32 to index
      %get3A_49 = arith.constant 112 : index
      %get3A_50 = tpu.vector_load %arg4[%get3A_48, %get3A_49] {strides = array<i32>} : memref<40x128xi32, #tpu.memory_space<vmem>>, vector<16xi32>,
      %broadcast_in_dim3A_51 = arith.constant 1.000000e+00 : f32
      %broadcast_in_dim3A_52 = vector.broadcast %broadcast_in_dim3A_51 : f32 to vector<16xf32>
      tpu.vector_store_idx %arg5[%get3A_50], %broadcast_in_dim3A_52 {add = true} : memref<10240xf32, #tpu.memory_space<vmem>>[vector<16xi32>], vector<16xf32>,
    }
    %scan3A_9 = arith.constant 40 : i32
    "tpu.region"() ({
      %run_scoped3A = tpu.sem_alloc : memref<!tpu.dma_semaphore, #tpu.memory_space<semaphore_mem>>
      %dma_start3A = arith.constant 0 : i32
      %dma_start3A_10 = tpu.memref_slice %arg3[%add3A, %dma_start3A] : memref<32x10240xf32, #tpu.memory_space<hbm>> -> memref<1x10240xf32, #tpu.memory_space<hbm>>
      %dma_start3A_11 = tpu.memref_squeeze %dma_start3A_10 : memref<1x10240xf32, #tpu.memory_space<hbm>> -> memref<10240xf32, #tpu.memory_space<hbm>>
      %dma_start3A_12 = arith.constant 0 : i32
      %dma_start3A_13 = tpu.memref_slice %arg3[%add3A, %dma_start3A_12] : memref<32x10240xf32, #tpu.memory_space<hbm>> -> memref<1x10240xf32, #tpu.memory_space<hbm>>
      %dma_start3A_14 = tpu.memref_squeeze %dma_start3A_13 : memref<1x10240xf32, #tpu.memory_space<hbm>> -> memref<10240xf32, #tpu.memory_space<hbm>>
      tpu.enqueue_dma source(%arg5 : memref<10240xf32, #tpu.memory_space<vmem>>) target(%dma_start3A_14 : memref<10240xf32, #tpu.memory_space<hbm>>) target_semaphore(%run_scoped3A : memref<!tpu.dma_semaphore, #tpu.memory_space<semaphore_mem>>)
      %dma_wait3A = arith.constant 0 : i32
      %dma_wait3A_15 = tpu.memref_slice %arg3[%add3A, %dma_wait3A] : memref<32x10240xf32, #tpu.memory_space<hbm>> -> memref<1x10240xf32, #tpu.memory_space<hbm>>
      %dma_wait3A_16 = tpu.memref_squeeze %dma_wait3A_15 : memref<1x10240xf32, #tpu.memory_space<hbm>> -> memref<10240xf32, #tpu.memory_space<hbm>>
      %dma_wait3A_17 = arith.constant 0 : i32
      %dma_wait3A_18 = tpu.memref_slice %arg3[%add3A, %dma_wait3A_17] : memref<32x10240xf32, #tpu.memory_space<hbm>> -> memref<1x10240xf32, #tpu.memory_space<hbm>>
      %dma_wait3A_19 = tpu.memref_squeeze %dma_wait3A_18 : memref<1x10240xf32, #tpu.memory_space<hbm>> -> memref<10240xf32, #tpu.memory_space<hbm>>
      tpu.wait_dma2 semaphore(%run_scoped3A : memref<!tpu.dma_semaphore, #tpu.memory_space<semaphore_mem>>) src(%arg5 : memref<10240xf32, #tpu.memory_space<vmem>>) dst(%dma_wait3A_19 : memref<10240xf32, #tpu.memory_space<hbm>>)
      tpu.yield
    }) : () -> ()
    return
  }
}

module attributes {stable_mosaic.version = 14 : i64} {
  func.func @_l1_body(%arg0: i32, %arg1: memref<512x256xf32, #tpu.memory_space<vmem>>, %arg2: memref<256x512xf32, #tpu.memory_space<vmem>>, %arg3: memref<1x256xf32, #tpu.memory_space<vmem>>, %arg4: memref<2x512x128xf32, #tpu.memory_space<vmem>>, %arg5: memref<512x256xf32, #tpu.memory_space<vmem>>) attributes {dimension_semantics = [#tpu.dimension_semantics<arbitrary>], iteration_bounds = array<i64: 20>, scalar_prefetch = 0 : i64, scratch_operands = 0 : i64, tpu.core_type = #tpu.core_type<tc>, window_params = [{transform_indices = @transform_0, window_bounds = array<i64: 512, 256>}, {pipeline_mode = #tpu.pipeline_mode<synchronous>, transform_indices = @transform_1, window_bounds = array<i64: 256, 512>}, {pipeline_mode = #tpu.pipeline_mode<synchronous>, transform_indices = @transform_2, window_bounds = array<i64: 1, 256>}, {transform_indices = @transform_3, window_bounds = array<i64: 2, 512, 128>}, {transform_indices = @transform_4, window_bounds = array<i64: 512, 256>}]} {
    %get3A = arith.constant 0 : index
    %get3A_0 = arith.constant 0 : index
    %get3A_1 = vector.load %arg1[%get3A, %get3A_0] : memref<512x256xf32, #tpu.memory_space<vmem>>, vector<512x256xf32>
    %get3A_2 = arith.constant 0 : index
    %get3A_3 = arith.constant 0 : index
    %get3A_4 = vector.load %arg2[%get3A_2, %get3A_3] : memref<256x512xf32, #tpu.memory_space<vmem>>, vector<256x512xf32>
    %dot_general3A = arith.constant dense<0.000000e+00> : vector<512x512xf32>
    %dot_general3A_5 = tpu.matmul %get3A_1, %get3A_4, %dot_general3A {dimension_numbers = #tpu.dot_dimension_numbers<[1], [0], [0], [1], [0, 0, 1, 1], [], []>, transpose_lhs_hint = false} : vector<512x256xf32>, vector<256x512xf32>, vector<512x512xf32> -> vector<512x512xf32>
    %slice3A = vector.extract_strided_slice %dot_general3A_5 {offsets = [0, 0], sizes = [512, 128], strides = [1, 1]} : vector<512x512xf32> to vector<512x128xf32>
    %swap3A = arith.constant 0 : index
    %swap3A_6 = arith.constant 0 : index
    %swap3A_7 = arith.constant 0 : index
    %swap3A_8 = vector.load %arg4[%swap3A, %swap3A_6, %swap3A_7] : memref<2x512x128xf32, #tpu.memory_space<vmem>>, vector<1x512x128xf32>
    %swap3A_9 = vector.shape_cast %swap3A_8 : vector<1x512x128xf32> to vector<512x128xf32>
    %swap3A_10 = vector.shape_cast %slice3A : vector<512x128xf32> to vector<1x512x128xf32>
    tpu.vector_store %arg4[%swap3A, %swap3A_6, %swap3A_7], %swap3A_10 {strides = array<i32>} : memref<2x512x128xf32, #tpu.memory_space<vmem>>, vector<1x512x128xf32>,
    %slice3A_11 = vector.extract_strided_slice %dot_general3A_5 {offsets = [0, 128], sizes = [512, 128], strides = [1, 1]} : vector<512x512xf32> to vector<512x128xf32>
    %swap3A_12 = arith.constant 1 : index
    %swap3A_13 = arith.constant 0 : index
    %swap3A_14 = arith.constant 0 : index
    %swap3A_15 = vector.load %arg4[%swap3A_12, %swap3A_13, %swap3A_14] : memref<2x512x128xf32, #tpu.memory_space<vmem>>, vector<1x512x128xf32>
    %swap3A_16 = vector.shape_cast %swap3A_15 : vector<1x512x128xf32> to vector<512x128xf32>
    %swap3A_17 = vector.shape_cast %slice3A_11 : vector<512x128xf32> to vector<1x512x128xf32>
    tpu.vector_store %arg4[%swap3A_12, %swap3A_13, %swap3A_14], %swap3A_17 {strides = array<i32>} : memref<2x512x128xf32, #tpu.memory_space<vmem>>, vector<1x512x128xf32>,
    %slice3A_18 = vector.extract_strided_slice %dot_general3A_5 {offsets = [0, 256], sizes = [512, 256], strides = [1, 1]} : vector<512x512xf32> to vector<512x256xf32>
    %get3A_19 = arith.constant 0 : index
    %get3A_20 = arith.constant 0 : index
    %get3A_21 = vector.load %arg3[%get3A_19, %get3A_20] : memref<1x256xf32, #tpu.memory_space<vmem>>, vector<1x256xf32>
    %add3A = vector.broadcast %get3A_21 : vector<1x256xf32> to vector<512x256xf32>
    %add3A_22 = arith.addf %slice3A_18, %add3A : vector<512x256xf32>
    %swap3A_23 = arith.constant 0 : index
    %swap3A_24 = arith.constant 0 : index
    %swap3A_25 = vector.load %arg5[%swap3A_23, %swap3A_24] : memref<512x256xf32, #tpu.memory_space<vmem>>, vector<512x256xf32>
    tpu.vector_store %arg5[%swap3A_23, %swap3A_24], %add3A_22 {strides = array<i32>} : memref<512x256xf32, #tpu.memory_space<vmem>>, vector<512x256xf32>,
    return
  }
  func.func @transform_0(%arg0: i32) -> (i32, i32) {
    %c0_i32 = arith.constant 0 : i32
    %c0_i32_0 = arith.constant 0 : i32
    return %arg0, %c0_i32 : i32, i32
  }
  func.func @transform_1(%arg0: i32) -> (i32, i32) {
    %c0_i32 = arith.constant 0 : i32
    %c0_i32_0 = arith.constant 0 : i32
    %c0_i32_1 = arith.constant 0 : i32
    return %c0_i32, %c0_i32_0 : i32, i32
  }
  func.func @transform_2(%arg0: i32) -> (i32, i32) {
    %c0_i32 = arith.constant 0 : i32
    %c0_i32_0 = arith.constant 0 : i32
    %c0_i32_1 = arith.constant 0 : i32
    return %c0_i32, %c0_i32_0 : i32, i32
  }
  func.func @transform_3(%arg0: i32) -> (i32, i32, i32) {
    %c0_i32 = arith.constant 0 : i32
    %c0_i32_0 = arith.constant 0 : i32
    %c0_i32_1 = arith.constant 0 : i32
    return %c0_i32, %arg0, %c0_i32_0 : i32, i32, i32
  }
  func.func @transform_4(%arg0: i32) -> (i32, i32) {
    %c0_i32 = arith.constant 0 : i32
    %c0_i32_0 = arith.constant 0 : i32
    return %arg0, %c0_i32 : i32, i32
  }
}

module attributes {stable_mosaic.version = 14 : i64} {
  func.func @_l2_body(%arg0: i32, %arg1: memref<2x512x128xf32, #tpu.memory_space<vmem>>, %arg2: memref<32x512xf32, #tpu.memory_space<vmem>>, %arg3: memref<512x256xf32, #tpu.memory_space<vmem>>, %arg4: memref<256x256xf32, #tpu.memory_space<vmem>>, %arg5: memref<1x128xf32, #tpu.memory_space<vmem>>, %arg6: memref<512x128xf32, #tpu.memory_space<vmem>>, %arg7: memref<512x128xf32, #tpu.memory_space<vmem>>) attributes {dimension_semantics = [#tpu.dimension_semantics<arbitrary>], iteration_bounds = array<i64: 20>, scalar_prefetch = 0 : i64, scratch_operands = 0 : i64, tpu.core_type = #tpu.core_type<tc>, window_params = [{transform_indices = @transform_0, window_bounds = array<i64: 2, 512, 128>}, {transform_indices = @transform_1, window_bounds = array<i64: 32, 512>}, {transform_indices = @transform_2, window_bounds = array<i64: 512, 256>}, {pipeline_mode = #tpu.pipeline_mode<synchronous>, transform_indices = @transform_3, window_bounds = array<i64: 256, 256>}, {pipeline_mode = #tpu.pipeline_mode<synchronous>, transform_indices = @transform_4, window_bounds = array<i64: 1, 128>}, {transform_indices = @transform_5, window_bounds = array<i64: 512, 128>}, {transform_indices = @transform_6, window_bounds = array<i64: 512, 128>}]} {
    %get3A = arith.constant 0 : index
    %get3A_0 = arith.constant 0 : index
    %get3A_1 = vector.load %arg2[%get3A, %get3A_0] : memref<32x512xf32, #tpu.memory_space<vmem>>, vector<32x512xf32>
    %reduce_sum3A = arith.constant dense<0.000000e+00> : vector<512xf32>
    %reduce_sum3A_2 = vector.multi_reduction <add>, %get3A_1, %reduce_sum3A [0] : vector<32x512xf32> to vector<512xf32>
    %max3A = arith.constant 1.000000e+00 : f32
    %max3A_3 = vector.broadcast %max3A : f32 to vector<512xf32>
    %max3A_4 = arith.maximumf %reduce_sum3A_2, %max3A_3 : vector<512xf32>
    %broadcast_in_dim3A = vector.shape_cast %max3A_4 : vector<512xf32> to vector<512x1xf32>
    %get3A_5 = arith.constant 0 : index
    %get3A_6 = arith.constant 0 : index
    %get3A_7 = arith.constant 0 : index
    %get3A_8 = vector.load %arg1[%get3A_5, %get3A_6, %get3A_7] : memref<2x512x128xf32, #tpu.memory_space<vmem>>, vector<1x512x128xf32>
    %get3A_9 = vector.shape_cast %get3A_8 : vector<1x512x128xf32> to vector<512x128xf32>
    %get3A_10 = arith.constant 1 : index
    %get3A_11 = arith.constant 0 : index
    %get3A_12 = arith.constant 0 : index
    %get3A_13 = vector.load %arg1[%get3A_10, %get3A_11, %get3A_12] : memref<2x512x128xf32, #tpu.memory_space<vmem>>, vector<1x512x128xf32>
    %get3A_14 = vector.shape_cast %get3A_13 : vector<1x512x128xf32> to vector<512x128xf32>
    %concatenate3A = tpu.concatenate %get3A_9, %get3A_14 in 1 : vector<512x128xf32>, vector<512x128xf32> -> vector<512x256xf32>
    %div3A = vector.broadcast %broadcast_in_dim3A : vector<512x1xf32> to vector<512x256xf32>
    %div3A_15 = arith.divf %concatenate3A, %div3A : vector<512x256xf32>
    %get3A_16 = arith.constant 0 : index
    %get3A_17 = arith.constant 0 : index
    %get3A_18 = vector.load %arg3[%get3A_16, %get3A_17] : memref<512x256xf32, #tpu.memory_space<vmem>>, vector<512x256xf32>
    %add3A = arith.addf %div3A_15, %get3A_18 : vector<512x256xf32>
    %max3A_19 = arith.constant 0.000000e+00 : f32
    %max3A_20 = vector.broadcast %max3A_19 : f32 to vector<512x256xf32>
    %max3A_21 = arith.maximumf %add3A, %max3A_20 : vector<512x256xf32>
    %get3A_22 = arith.constant 0 : index
    %get3A_23 = arith.constant 0 : index
    %get3A_24 = vector.load %arg4[%get3A_22, %get3A_23] : memref<256x256xf32, #tpu.memory_space<vmem>>, vector<256x256xf32>
    %dot_general3A = arith.constant dense<0.000000e+00> : vector<512x256xf32>
    %dot_general3A_25 = tpu.matmul %max3A_21, %get3A_24, %dot_general3A {dimension_numbers = #tpu.dot_dimension_numbers<[1], [0], [0], [1], [0, 0, 1, 1], [], []>, transpose_lhs_hint = false} : vector<512x256xf32>, vector<256x256xf32>, vector<512x256xf32> -> vector<512x256xf32>
    %slice3A = vector.extract_strided_slice %dot_general3A_25 {offsets = [0, 0], sizes = [512, 128], strides = [1, 1]} : vector<512x256xf32> to vector<512x128xf32>
    %swap3A = arith.constant 0 : index
    %swap3A_26 = arith.constant 0 : index
    %swap3A_27 = vector.load %arg6[%swap3A, %swap3A_26] : memref<512x128xf32, #tpu.memory_space<vmem>>, vector<512x128xf32>
    tpu.vector_store %arg6[%swap3A, %swap3A_26], %slice3A {strides = array<i32>} : memref<512x128xf32, #tpu.memory_space<vmem>>, vector<512x128xf32>,
    %slice3A_28 = vector.extract_strided_slice %dot_general3A_25 {offsets = [0, 128], sizes = [512, 128], strides = [1, 1]} : vector<512x256xf32> to vector<512x128xf32>
    %get3A_29 = arith.constant 0 : index
    %get3A_30 = arith.constant 0 : index
    %get3A_31 = vector.load %arg5[%get3A_29, %get3A_30] : memref<1x128xf32, #tpu.memory_space<vmem>>, vector<1x128xf32>
    %add3A_32 = vector.broadcast %get3A_31 : vector<1x128xf32> to vector<512x128xf32>
    %add3A_33 = arith.addf %slice3A_28, %add3A_32 : vector<512x128xf32>
    %swap3A_34 = arith.constant 0 : index
    %swap3A_35 = arith.constant 0 : index
    %swap3A_36 = vector.load %arg7[%swap3A_34, %swap3A_35] : memref<512x128xf32, #tpu.memory_space<vmem>>, vector<512x128xf32>
    tpu.vector_store %arg7[%swap3A_34, %swap3A_35], %add3A_33 {strides = array<i32>} : memref<512x128xf32, #tpu.memory_space<vmem>>, vector<512x128xf32>,
    return
  }
  func.func @transform_0(%arg0: i32) -> (i32, i32, i32) {
    %c0_i32 = arith.constant 0 : i32
    %c0_i32_0 = arith.constant 0 : i32
    %c0_i32_1 = arith.constant 0 : i32
    return %c0_i32, %arg0, %c0_i32_0 : i32, i32, i32
  }
  func.func @transform_1(%arg0: i32) -> (i32, i32) {
    %c0_i32 = arith.constant 0 : i32
    %c0_i32_0 = arith.constant 0 : i32
    return %c0_i32, %arg0 : i32, i32
  }
  func.func @transform_2(%arg0: i32) -> (i32, i32) {
    %c0_i32 = arith.constant 0 : i32
    %c0_i32_0 = arith.constant 0 : i32
    return %arg0, %c0_i32 : i32, i32
  }
  func.func @transform_3(%arg0: i32) -> (i32, i32) {
    %c0_i32 = arith.constant 0 : i32
    %c0_i32_0 = arith.constant 0 : i32
    %c0_i32_1 = arith.constant 0 : i32
    return %c0_i32, %c0_i32_0 : i32, i32
  }
  func.func @transform_4(%arg0: i32) -> (i32, i32) {
    %c0_i32 = arith.constant 0 : i32
    %c0_i32_0 = arith.constant 0 : i32
    %c0_i32_1 = arith.constant 0 : i32
    return %c0_i32, %c0_i32_0 : i32, i32
  }
  func.func @transform_5(%arg0: i32) -> (i32, i32) {
    %c0_i32 = arith.constant 0 : i32
    %c0_i32_0 = arith.constant 0 : i32
    return %arg0, %c0_i32 : i32, i32
  }
  func.func @transform_6(%arg0: i32) -> (i32, i32) {
    %c0_i32 = arith.constant 0 : i32
    %c0_i32_0 = arith.constant 0 : i32
    return %arg0, %c0_i32 : i32, i32
  }
}

module attributes {stable_mosaic.version = 14 : i64} {
  func.func @_head_body(%arg0: i32, %arg1: memref<2x512x128xf32, #tpu.memory_space<vmem>>, %arg2: memref<32x512xf32, #tpu.memory_space<vmem>>, %arg3: memref<512x128xf32, #tpu.memory_space<vmem>>, %arg4: memref<128x128xf32, #tpu.memory_space<vmem>>, %arg5: memref<1x128xf32, #tpu.memory_space<vmem>>, %arg6: memref<512x128xf32, #tpu.memory_space<vmem>>) attributes {dimension_semantics = [#tpu.dimension_semantics<arbitrary>], iteration_bounds = array<i64: 20>, scalar_prefetch = 0 : i64, scratch_operands = 0 : i64, tpu.core_type = #tpu.core_type<tc>, window_params = [{transform_indices = @transform_0, window_bounds = array<i64: 2, 512, 128>}, {transform_indices = @transform_1, window_bounds = array<i64: 32, 512>}, {transform_indices = @transform_2, window_bounds = array<i64: 512, 128>}, {pipeline_mode = #tpu.pipeline_mode<synchronous>, transform_indices = @transform_3, window_bounds = array<i64: 128, 128>}, {pipeline_mode = #tpu.pipeline_mode<synchronous>, transform_indices = @transform_4, window_bounds = array<i64: 1, 128>}, {transform_indices = @transform_5, window_bounds = array<i64: 512, 128>}]} {
    %get3A = arith.constant 0 : index
    %get3A_0 = arith.constant 0 : index
    %get3A_1 = vector.load %arg2[%get3A, %get3A_0] : memref<32x512xf32, #tpu.memory_space<vmem>>, vector<32x512xf32>
    %reduce_sum3A = arith.constant dense<0.000000e+00> : vector<512xf32>
    %reduce_sum3A_2 = vector.multi_reduction <add>, %get3A_1, %reduce_sum3A [0] : vector<32x512xf32> to vector<512xf32>
    %max3A = arith.constant 1.000000e+00 : f32
    %max3A_3 = vector.broadcast %max3A : f32 to vector<512xf32>
    %max3A_4 = arith.maximumf %reduce_sum3A_2, %max3A_3 : vector<512xf32>
    %broadcast_in_dim3A = vector.shape_cast %max3A_4 : vector<512xf32> to vector<512x1xf32>
    %get3A_5 = arith.constant 0 : index
    %get3A_6 = arith.constant 0 : index
    %get3A_7 = arith.constant 0 : index
    %get3A_8 = vector.load %arg1[%get3A_5, %get3A_6, %get3A_7] : memref<2x512x128xf32, #tpu.memory_space<vmem>>, vector<1x512x128xf32>
    %get3A_9 = vector.shape_cast %get3A_8 : vector<1x512x128xf32> to vector<512x128xf32>
    %get3A_10 = arith.constant 1 : index
    %get3A_11 = arith.constant 0 : index
    %get3A_12 = arith.constant 0 : index
    %get3A_13 = vector.load %arg1[%get3A_10, %get3A_11, %get3A_12] : memref<2x512x128xf32, #tpu.memory_space<vmem>>, vector<1x512x128xf32>
    %get3A_14 = vector.shape_cast %get3A_13 : vector<1x512x128xf32> to vector<512x128xf32>
    %add3A = arith.addf %get3A_9, %get3A_14 : vector<512x128xf32>
    %div3A = vector.broadcast %broadcast_in_dim3A : vector<512x1xf32> to vector<512x128xf32>
    %div3A_15 = arith.divf %add3A, %div3A : vector<512x128xf32>
    %get3A_16 = arith.constant 0 : index
    %get3A_17 = arith.constant 0 : index
    %get3A_18 = vector.load %arg3[%get3A_16, %get3A_17] : memref<512x128xf32, #tpu.memory_space<vmem>>, vector<512x128xf32>
    %add3A_19 = arith.addf %div3A_15, %get3A_18 : vector<512x128xf32>
    %get3A_20 = arith.constant 0 : index
    %get3A_21 = arith.constant 0 : index
    %get3A_22 = vector.load %arg4[%get3A_20, %get3A_21] : memref<128x128xf32, #tpu.memory_space<vmem>>, vector<128x128xf32>
    %dot_general3A = arith.constant dense<0.000000e+00> : vector<512x128xf32>
    %dot_general3A_23 = tpu.matmul %add3A_19, %get3A_22, %dot_general3A {dimension_numbers = #tpu.dot_dimension_numbers<[1], [0], [0], [1], [0, 0, 1, 1], [], []>, transpose_lhs_hint = false} : vector<512x128xf32>, vector<128x128xf32>, vector<512x128xf32> -> vector<512x128xf32>
    %get3A_24 = arith.constant 0 : index
    %get3A_25 = arith.constant 0 : index
    %get3A_26 = vector.load %arg5[%get3A_24, %get3A_25] : memref<1x128xf32, #tpu.memory_space<vmem>>, vector<1x128xf32>
    %add3A_27 = vector.broadcast %get3A_26 : vector<1x128xf32> to vector<512x128xf32>
    %add3A_28 = arith.addf %dot_general3A_23, %add3A_27 : vector<512x128xf32>
    %ge3A = arith.constant 0.000000e+00 : f32
    %ge3A_29 = vector.broadcast %ge3A : f32 to vector<512x128xf32>
    %ge3A_30 = arith.cmpf oge, %add3A_28, %ge3A_29 : vector<512x128xf32>
    %mul3A = arith.constant 0.00999999977 : f32
    %mul3A_31 = vector.broadcast %mul3A : f32 to vector<512x128xf32>
    %mul3A_32 = arith.mulf %mul3A_31, %add3A_28 : vector<512x128xf32>
    %select_n3A = arith.select %ge3A_30, %add3A_28, %mul3A_32 : vector<512x128xi1>, vector<512x128xf32>
    %swap3A = arith.constant 0 : index
    %swap3A_33 = arith.constant 0 : index
    %swap3A_34 = vector.load %arg6[%swap3A, %swap3A_33] : memref<512x128xf32, #tpu.memory_space<vmem>>, vector<512x128xf32>
    tpu.vector_store %arg6[%swap3A, %swap3A_33], %select_n3A {strides = array<i32>} : memref<512x128xf32, #tpu.memory_space<vmem>>, vector<512x128xf32>,
    return
  }
  func.func @transform_0(%arg0: i32) -> (i32, i32, i32) {
    %c0_i32 = arith.constant 0 : i32
    %c0_i32_0 = arith.constant 0 : i32
    %c0_i32_1 = arith.constant 0 : i32
    return %c0_i32, %arg0, %c0_i32_0 : i32, i32, i32
  }
  func.func @transform_1(%arg0: i32) -> (i32, i32) {
    %c0_i32 = arith.constant 0 : i32
    %c0_i32_0 = arith.constant 0 : i32
    return %c0_i32, %arg0 : i32, i32
  }
  func.func @transform_2(%arg0: i32) -> (i32, i32) {
    %c0_i32 = arith.constant 0 : i32
    %c0_i32_0 = arith.constant 0 : i32
    return %arg0, %c0_i32 : i32, i32
  }
  func.func @transform_3(%arg0: i32) -> (i32, i32) {
    %c0_i32 = arith.constant 0 : i32
    %c0_i32_0 = arith.constant 0 : i32
    %c0_i32_1 = arith.constant 0 : i32
    return %c0_i32, %c0_i32_0 : i32, i32
  }
  func.func @transform_4(%arg0: i32) -> (i32, i32) {
    %c0_i32 = arith.constant 0 : i32
    %c0_i32_0 = arith.constant 0 : i32
    %c0_i32_1 = arith.constant 0 : i32
    return %c0_i32, %c0_i32_0 : i32, i32
  }
  func.func @transform_5(%arg0: i32) -> (i32, i32) {
    %c0_i32 = arith.constant 0 : i32
    %c0_i32_0 = arith.constant 0 : i32
    return %arg0, %c0_i32 : i32, i32
  }
}

</mosaic_0001>

<sc_bundles>
// kernel: kernel.11.cloned.1.call-start
scs
__scs_entry_jumppad:
0x0: {  	(pc) =	sbr.rel $0x88, $3  }
0x1: {  	(tag) =	ssettag $0x0;
	lr =	simm.s32 $0x1  }
0x2: {  	[smem:$0x3F97] =	sst lr;
	_ =	strace $0xD0000000  }
0x3: {  	_ = 	snop  }
0x4: {  	_ = 	snop  }
0x5: {  	_ = 	snop  }
0x6: {  	_ = 	snop  }
0x7: {  	_ = 	snop  }
__scs_overlays_trampoline_lowered:
0x8: {  	[smem:$0x3FA6] =	sst s0  }
0x9: {  	[smem:$0x3FA7] =	sst s1  }
0xa: {  	[smem:$0x3FA8] =	sst s2  }
0xb: {  	[smem:$0x3FA9] =	sst s3  }
0xc: {  	[smem:$0x3FAA] =	sst s4  }
0xd: {  	[smem:$0x3FAB] =	sst s5  }
0xe: {  	[smem:$0x3FAC] =	sst s6  }
0xf: {  	[smem:$0x3FAD] =	sst s7  }
0x10: {  	[smem:$0x3FAE] =	sst s8  }
0x11: {  	[smem:$0x3FAF] =	sst s9;
	s0 =	simm.s32 @!p0 $0x0  }
0x12: {  	s1 =	sld [smem:$0x3F95];
	s0 =	simm.s32 @p0 $0x1  }
0x13: {  	[smem:$0x3FB0] =	sst s0;
	s0 =	simm.s32 @!p1 $0x0  }
0x14: {  	s2 =	sld [smem:$0x3F94];
	s0 =	simm.s32 @p1 $0x1  }
0x15: {  	[smem:$0x3FB1] =	sst s0;
	s0 =	simm.s32 @!p2 $0x0  }
0x16: {  	s3 =	sld [smem:$0x3FDB];
	s0 =	simm.s32 @p2 $0x1  }
0x17: {  	s4 =	simm.s32 $0x1BF5;
	[smem:$0x3FB3] =	sst s0  }
0x18: {  	s0 =	sld [smem:$0x3F96];
	_ =	swait.ge [sflag:s4], $0x0  }
0x19: {  	s7 =	sld [smem:$0x3F97]  }
0x1a: {  	s8 =	sadd.s32 $0xFFFFE003, lr  }
0x1b: {  	s9 =	sadd.s32 $0xFFFFFEF7, lr;
	s5 =	simm.s32 $0xFFFFFFFF;
	p2 =	slt.u32 s8, $0xFFFFF086  }
0x1c: {  	p1 =	slt.u32 s9, $0xF7A;
	s5 =	simm.s32 @!p2 $0x0  }
0x1d: {  	s5 =	simm.s32 @p1 $0x1;
	p0 =	seq.s32 s7, s2  }
0x1e: {  	s7 =	smul.u32 @!p0 $0xF7A, s2;
	p2 =	seq.s32 @!p0 s5, $0x0  }
0x1f: {  	s9 =	smul.u32 $0xF7A, s1;
	s8 =	simm.s32 @!p0 $0x1BF5;
	p2 =	por !p2, p0  }
0x20: {  	[sflag:s8] =	ssyncset.s32 @!p0 $0xFFFFF086;
	s6 =	sadd.s32 @!p0 s3, s7;
	s7 =	simm.s32 @!p0 $0x108  }
0x21: {  	s3 =	sadd.s32 s3, s9;
	s6 =	sadd.s32 @!p0 $0x88, s6;
	s7 =	simm.s32 @p2 $0x1082  }
0x22: {  	[simem:s7], [sflag:s8] =	dma.local @!p0 [hbm:s6], $0xF7A  }
0x23: {  	s9 =	sor.u32 $0xD0000000, s2;
	s6 =	simm.s32 $0x108;
	_ =	swait.ge @!p0 [sflag:s8], $0x0  }
0x24: {  	s3 =	sadd.s32 $0x88, s3;
	s6 =	simm.s32 @!p1 $0x1082;
	[sflag:s4] =	ssyncset.s32 $0xFFFFF086  }
0x25: {  	[simem:s6], [sflag:s4] =	dma.local [hbm:s3], $0xF7A  }
0x26: {  	[smem:$0x3F97] =	sst s1;
	(tag) =	ssettag s2;
	_ =	strace s9  }
0x27: {  	s1 =	sld [smem:$0x3FA7]  }
0x28: {  	s2 =	sld [smem:$0x3FA8]  }
0x29: {  	s4 =	sld [smem:$0x3FAA]  }
0x2a: {  	p0 =	seq.s32 s5, $0x0;
	s5 =	sld [smem:$0x3FAB]  }
0x2b: {  	s6 =	sld [smem:$0x3FAC]  }
0x2c: {  	s7 =	sld [smem:$0x3FAD]  }
0x2d: {  	s3 =	simm.s32 $0x108;
	s8 =	sld [smem:$0x3FAE]  }
0x2e: {  	s3 =	simm.s32 @!p0 $0x1082;
	s9 =	sld [smem:$0x3FAF]  }
0x2f: {  	lr =	sadd.s32 s0, s3;
	s0 =	sld [smem:$0x3FA6]  }
0x30: {  	s3 =	sld [smem:$0x3FA9]  }
0x31: {  	[smem:$0x3FB2] =	sst s10  }
0x32: {  	s10 =	sld [smem:$0x3FB0];
	_ =	sdelay $0x3  }
0x33: {  	p0 =	seq.s32 s10, $0x1;
	s10 =	sld [smem:$0x3FB2];
	_ =	sdelay $0x3  }
0x34: {  	[smem:$0x3FB2] =	sst s10  }
0x35: {  	s10 =	sld [smem:$0x3FB1];
	_ =	sdelay $0x3  }
0x36: {  	p1 =	seq.s32 s10, $0x1;
	s10 =	sld [smem:$0x3FB2];
	_ =	sdelay $0x3  }
0x37: {  	[smem:$0x3FB2] =	sst s10  }
0x38: {  	s10 =	sld [smem:$0x3FB3]  }
0x39: {  	_ = 	snop;
	(pc) =	sbr.ind lr, $3  }
0x3a: {  	_ = 	snop  }
0x3b: {  	_ = 	snop  }
0x3c: {  	p2 =	seq.s32 s10, $0x1;
	s10 =	sld [smem:$0x3FB2]  }
0x3d: {  	_ =	shalt  }
0x3e: {  	_ =	shalt  }
0x3f: {  	_ =	shalt  }
0x40: {  	_ =	shalt  }
0x41: {  	_ =	shalt  }
0x42: {  	_ =	shalt  }
0x43: {  	_ =	shalt  }
0x44: {  	_ =	shalt  }
0x45: {  	_ =	shalt  }
0x46: {  	_ =	shalt  }
0x47: {  	_ =	shalt  }
0x48: {  	_ =	shalt  }
0x49: {  	_ =	shalt  }
0x4a: {  	_ =	shalt  }
0x4b: {  	_ =	shalt  }
0x4c: {  	_ =	shalt  }
0x4d: {  	_ =	shalt  }
0x4e: {  	_ =	shalt  }
0x4f: {  	_ =	shalt  }
0x50: {  	_ =	shalt  }
0x51: {  	_ =	shalt  }
0x52: {  	_ =	shalt  }
0x53: {  	_ =	shalt  }
0x54: {  	_ =	shalt  }
0x55: {  	_ =	shalt  }
0x56: {  	_ =	shalt  }
0x57: {  	_ =	shalt  }
0x58: {  	_ =	shalt  }
0x59: {  	_ =	shalt  }
0x5a: {  	_ =	shalt  }
0x5b: {  	_ =	shalt  }
0x5c: {  	_ =	shalt  }
0x5d: {  	_ =	shalt  }
0x5e: {  	_ =	shalt  }
0x5f: {  	_ =	shalt  }
0x60: {  	_ =	shalt  }
0x61: {  	_ =	shalt  }
0x62: {  	_ =	shalt  }
0x63: {  	_ =	shalt  }
0x64: {  	_ =	shalt  }
0x65: {  	_ =	shalt  }
0x66: {  	_ =	shalt  }
0x67: {  	_ =	shalt  }
0x68: {  	_ =	shalt  }
0x69: {  	_ =	shalt  }
0x6a: {  	_ =	shalt  }
0x6b: {  	_ =	shalt  }
0x6c: {  	_ =	shalt  }
0x6d: {  	_ =	shalt  }
0x6e: {  	_ =	shalt  }
0x6f: {  	_ =	shalt  }
0x70: {  	_ =	shalt  }
0x71: {  	_ =	shalt  }
0x72: {  	_ =	shalt  }
0x73: {  	_ =	shalt  }
0x74: {  	_ =	shalt  }
0x75: {  	_ =	shalt  }
0x76: {  	_ =	shalt  }
0x77: {  	_ =	shalt  }
0x78: {  	_ =	shalt  }
0x79: {  	_ =	shalt  }
0x7a: {  	_ =	shalt  }
0x7b: {  	_ =	shalt  }
0x7c: {  	_ =	shalt  }
0x7d: {  	_ =	shalt  }
0x7e: {  	_ =	shalt  }
0x7f: {  	_ =	shalt  }
0x80: {  	_ =	shalt  }
0x81: {  	_ =	shalt  }
0x82: {  	_ =	shalt  }
0x83: {  	_ =	shalt  }
0x84: {  	_ =	shalt  }
0x85: {  	_ =	shalt  }
0x86: {  	_ =	shalt  }
0x87: {  	_ =	shalt  }
.Lfunc_end0:
.L_simem_size_0:
called_computation.1_lowered:
.L_overlay_start_0:
0x88: {  	s2 =	sld [smem:$0x3FD9]  }
0x89: {  	s3 =	sld [smem:$0x3FFE];
	_ =	sdelay $0x1  }
0x8a: {  	s1 =	srdreg.scid  }
0x8b: {  	s0 =	sand.u32 $0x1, s1  }
0x8c: {  	s16 =	sshll.u32 s0, $0xA;
	s2 =	sadd.s32 s3, s2  }
0x8d: {  	s2 =	sadd.s32 s2, s16  }
0x8e: {  	[smem:$0x3FBE] =	sst s2  }
0x8f: {  	_ = 	snop  }
0x90: {  	(tm) =	ssettm $0x1  }
0x91: {  	s17 =	sld [smem:$0x3FFB];
	_ =	sdelay $0x3  }
0x92: {  	_ =	strace s17  }
0x93: {  	s2 =	sld [smem:$0x3FFC];
	_ =	sdelay $0x3  }
0x94: {  	_ =	strace s2  }
0x95: {  	s2 =	sld [smem:$0x3FFD];
	_ =	sdelay $0x3  }
0x96: {  	_ =	strace s2  }
0x97: {  	_ =	strace $0x8FFFFFFF  }
0x98: {  	s18 =	sld [smem:$0x3FDB];
	_ =	sdelay $0x1  }
0x99: {  	s19 =	simm.s32 $_scs_section_size  }
0x9a: {  	s4 =	simm.s32 $_size__tile_overlayer_lowered;
	s5 =	simm.s32 $_tile_overlayer_lowered  }
0x9b: {  	s22 =	simm.s32 $0x1BFF;
	s21 =	sshll.u32 s5, $0x1;
	s2 =	sadd.s32 s19, s18  }
0x9c: {  	s6 =	simm.s32 $0x0;
	s20 =	sshll.u32 s4, $0x1;
	s4 =	sadd.s32 s21, s2  }
0x9d: {  	[timem:s6], [sflag:s22] =	dma.local [hbm:s4], s20  }
0x9e: {  	_ =	swait.ge [sflag:s22], s20  }
0x9f: {  	s3 =	ssub.s32 $0x0, s20;
	[sflag:s22] =	ssyncset.done $0x0  }
0xa0: {  	[sflag:s22] =	ssyncadd.s32 s3;
	_ =	sdelay $0x1  }
0xa1: {  	s23 =	simm.s32 $0x1B8B  }
0xa2: {  	_ =	swait.ge [sflag:s23], $0x1  }
0xa3: {  	[sflag:s23] =	ssyncset.done $0x0  }
0xa4: {  	s25 =	simm.s32 $0x1B8E;
	s24 =	sld [smem:$0x3FFE];
	[sflag:s23] =	ssyncadd.s32 $0xFFFFFFFF  }
0xa5: {  	s26 =	simm.s32 $execute0_lowered;
	[smem:$0x3FD2] =	sst s25  }
0xa6: {  	s4 =	sshll.u32 s26, $0x1;
	_ =	strace $0x80000046;
	[dreg:$0x1] =	wrdreg $0xFFFFFFFF  }
0xa7: {  	s28 =	simm.s32 $_size_execute0_lowered;
	s2 =	sadd.s32 s2, s4;
	[dreg:$0x0] =	wrdreg $0x0  }
0xa8: {  	s4 =	sshll.u32 s28, $0x1;
	[dreg:$0x2] =	wrdreg s2  }
0xa9: {  	[dreg:$0x3] =	wrdreg s4  }
0xaa: {  	[dreg:$0x4] =	wrdreg $0xC0  }
0xab: {  	_ =	task [dreg:s6], $0x5FFFF  }
0xac: {  	[dreg:$0x1] =	wrdreg $0xFFFFFFFF  }
0xad: {  	[dreg:$0x0] =	wrdreg $0x60  }
0xae: {  	[dreg:$0x2] =	wrdreg s24  }
0xaf: {  	[dreg:$0x3] =	wrdreg $0xA8000  }
0xb0: {  	[dreg:$0x4] =	wrdreg $0xA  }
0xb1: {  	_ =	task.clear_ibuf [dreg:s6], $0x5FFFF;
	_ =	strace $0x90000046  }
0xb2: {  	s29 =	simm.s32 $0xA;
	_ =	strace $0x80000048  }
0xb3: {  	_ =	swait.ge [sflag:s29], $0x1  }
0xb4: {  	[sflag:s29] =	ssyncadd.s32 $0xFFFFFFFF  }
0xb5: {  	_ =	strace $0x90000048  }
0xb6: {  	_ =	sfence  }
0xb7: {  	s30 =	sld [smem:$0x0];
	_ =	sdelay $0x2  }
0xb8: {  	s31 =	sshll.u32 s1, $0xD;
	s1 =	sshrl.u32 s1, $0x2  }
0xb9: {  	s3 =	sand.u32 $0x4000, s31;
	s1 =	sadd.s32 s1, s30  }
0xba: {  	s0 =	sor.u32 s3, s0;
	s1 =	sshll.u32 s1, $0x11  }
0xbb: {  	s0 =	sor.u32 s1, s0  }
0xbc: {  	s0 =	sadd.s32 $0x8F2B, s0  }
0xbd: {  	[sflag:s0] =	ssyncadd.remote.s32 $0x1  }
0xbe: {  	_ =	sfence.sel $0xFFFF  }
0xbf: {  	[dreg:$0x0] =	wrdreg $0xFFFFFFFF;
	(pc) =	sbr.abs _section_cstart, $3  }
0xc0: {  	[dreg:$0x1] =	wrdreg $0xFFFFFFFF  }
0xc1: {  	_ =	task.clear_ibuf [dreg:s6], $0x2FFFF;
	_ =	strace $0x9FFFFFFF  }
0xc2: {  	(tm) =	ssettm $0x7FFFFFFF  }
0xc3: {  	_ =	shalt  }
tec
execute0_lowered:
.L_overlay_start_1:
0x0: {  	(tag) =	ssettag $0x1  }
0x1: {  	s5 =	rddreg [dreg:$0x0]  }
0x2: {  	s1 =	rddreg [dreg:$0x1]  }
0x3: {  	s0 =	rddreg [dreg:$0x2];
	s2 =	simm.s32 $0x0;
	s3 =	srdreg.scid  }
0x4: {  	s15 =	simm.s32 $0x80;
	s16 =	simm.s32 $0x2800;
	s17 =	simm.s32 $0x6800  }
0x5: {  	s18 =	simm.s32 $0x1;
	s19 =	simm.s32 $0x2;
	s20 =	simm.s32 $0x3  }
0x6: {  	s21 =	simm.s32 $0x4;
	s22 =	simm.s32 $0x2700;
	s6 =	sand.u32 $0x1, s3  }
0x7: {  	s23 =	simm.s32 $0x2780;
	s3 =	stileid.u32;
	s7 =	smul.u32 $0x28000, s6  }
0x8: {  	[smem:$0x7FF] =	sst s2;
	s9 =	sadd.s32 $0xA2600, s5;
	s8 =	smul.u32 $0x50000, s3  }
0x9: {  	s10 =	sadd.s32 $0xA7600, s5;
	s4 =	sadd.s32 $0xAC600, s5;
	s30 =	smul.u32 $0x500, s3  }
0xa: {  	_ =	strace $0x80000047;
	s29 =	ssub.s32 $0x2, s6;
	s24 =	smul.u32 $0x2800, s3  }
0xb: {  	s31 =	sshll.u32 s3, $0x6;
	s6 =	sshrl.u32 s29, $0x1;
	s11 =	sadd.s32 s7, s5  }
0xc: {  	s8 =	sshrl.u32 s8, $0x2;
	s12 =	ssub.s32 s29, s6;
	s5 =	sor.u32 $0x1C05, s31  }
0xd: {  	s6 =	sadd.s32 s9, s30;
	s14 =	sshrl.u32 s24, $0x3;
	s7 =	sadd.s32 s10, s30  }
0xe: {  	s13 =	sadd.s32 s8, s1;
	s8 =	sadd.s32 $0x2600, s11;
	s14 =	sadd.s32 $0x280, s14  }
0xf: {  	s25 =	sadd.s32 $0xAEE00, s11;
	s11 =	smax.u32 s12, $0x1;
	s9 =	sadd.s32 s9, s14  }
0x10: {  	s10 =	sadd.s32 s10, s14;
	s12 =	sshrl.u32 s13, $0x3;
	s13 =	simm.s32 $0x5  }
0x11: {  	s14 =	simm.s32 $0x1400;
	s24 =	sadd.s32 s24, s25;
	s25 =	simm.s32 $0x0  }
.LBB2_1:
0x12: {  	[spmem:s12], [sflag:s5] =	dma.local [hbm:s4], $0x2800  }
0x13: {  	_ =	swait.ge [sflag:s13], $0x2800  }
0x14: {  	[sflag:s13] =	ssyncset.done $0x0  }
0x15: {  	[sflag:s13] =	ssyncadd.s32 $0xFFFFD800  }
0x16: {  	[bflag:$0x0] =	sbarrier.arrive $0xFFFF  }
0x17: {  	[tilespmem:s2], [sflag:$0x5] =	stream.linear.gather [hbm4b:s6+s2], $0x1400, $0x38;
	[tilespmem:$0x1E800] =	vst v63  }
0x18: {  	_ =	swait.ge [sflag:s13], $0x1400  }
0x19: {  	[sflag:s13] =	ssyncset.done $0x0  }
0x1a: {  	[sflag:s13] =	ssyncadd.s32 $0xFFFFEC00  }
0x1b: {  	[tilespmem:s14], [sflag:$0x5] =	stream.linear.gather [hbm4b:s7+s2], $0x1400, $0x38;
	[tilespmem:$0x1E800] =	vst v63  }
0x1c: {  	_ =	swait.ge [sflag:s13], $0x1400  }
0x1d: {  	[sflag:s13] =	ssyncset.done $0x0  }
0x1e: {  	[sflag:s13] =	ssyncadd.s32 $0xFFFFEC00  }
0x1f: {  	[tilespmem:s16], [sflag:$0x1] =	stream.indirect.gather [hbm4b:s8+s15], $0x80, s2, s15, $0xb8;
	[tilespmem:$0x1E800] =	vst v63  }
0x20: {  	_ = 	snop  }
0x21: {  	[tilespmem:s17], [sflag:$0x2] =	stream.indirect.gather [hbm4b:s8+s15], $0x80, s15, s15, $0xb8;
	[tilespmem:$0x1E800] =	vst v63  }
0x22: {  	_ =	swait.ge [sflag:s18], $0x4000  }
0x23: {  	[sflag:s18] =	ssyncset.done $0x0  }
0x24: {  	s26 =	simm.s32 $0x1400;
	[sflag:s18] =	ssyncadd.s32 $0xFFFFC000  }
0x25: {  	[spmem:s1] =	stream.indirect.scatter.add.f32 [tilespmem:s16], [sflag:$0x3], $0x80, s26, s15, $0xb8;
	[tilespmem:$0x1E800] =	vst v63  }
0x26: {  	_ =	swait.ge [sflag:s19], $0x4000  }
0x27: {  	[sflag:s19] =	ssyncset.done $0x0  }
0x28: {  	s30 =	simm.s32 $0x1480;
	[sflag:s19] =	ssyncadd.s32 $0xFFFFC000  }
0x29: {  	[spmem:s1] =	stream.indirect.scatter.add.f32 [tilespmem:s17], [sflag:$0x4], $0x80, s30, s15, $0xb8;
	[tilespmem:$0x1E800] =	vst v63  }
0x2a: {  	_ =	swait.ge [sflag:s20], $0x4000  }
0x2b: {  	[sflag:s20] =	ssyncset.done $0x0  }
0x2c: {  	s31 =	simm.s32 $0x100;
	[sflag:s20] =	ssyncadd.s32 $0xFFFFC000  }
0x2d: {  	[tilespmem:s16], [sflag:$0x1] =	stream.indirect.gather [hbm4b:s8+s15], $0x80, s31, s15, $0xb8;
	[tilespmem:$0x1E800] =	vst v63  }
0x2e: {  	_ =	swait.ge [sflag:s21], $0x4000  }
0x2f: {  	[sflag:s21] =	ssyncset.done $0x0  }
0x30: {  	s28 =	simm.s32 $0x180;
	s26 =	simm.s32 $0x400;
	[sflag:s21] =	ssyncadd.s32 $0xFFFFC000  }
.LBB2_2:
0x31: {  	[tilespmem:s17], [sflag:$0x2] =	stream.indirect.gather [hbm4b:s8+s15], $0x80, s28, s15, $0xb8;
	[tilespmem:$0x1E800] =	vst v63  }
0x32: {  	s28 =	smov.u32 s26  }
0x33: {  	p0 =	sne.s32 s26, $0x4800;
	s26 =	sadd.s32 $0x400, s26;
	_ =	swait.ge [sflag:s18], $0x4000  }
0x34: {  	s28 =	sshra.s32 s28, $0x2;
	[sflag:s18] =	ssyncset.done $0x0  }
0x35: {  	s29 =	sadd.s32 $0x1400, s28;
	[sflag:s18] =	ssyncadd.s32 $0xFFFFC000  }
0x36: {  	[spmem:s1] =	stream.indirect.scatter.add.f32 [tilespmem:s16], [sflag:$0x3], $0x80, s29, s15, $0xb8;
	[tilespmem:$0x1E800] =	vst v63  }
0x37: {  	_ =	swait.ge [sflag:s19], $0x4000  }
0x38: {  	[sflag:s19] =	ssyncset.done $0x0  }
0x39: {  	s29 =	sadd.s32 $0x1480, s28;
	[sflag:s19] =	ssyncadd.s32 $0xFFFFC000  }
0x3a: {  	[spmem:s1] =	stream.indirect.scatter.add.f32 [tilespmem:s17], [sflag:$0x4], $0x80, s29, s15, $0xb8;
	[tilespmem:$0x1E800] =	vst v63  }
0x3b: {  	_ =	swait.ge [sflag:s20], $0x4000  }
0x3c: {  	[sflag:s20] =	ssyncset.done $0x0  }
.Ltmp0:
0x3d: {  	s29 =	sadd.s32 $0x100, s28;
	[sflag:s20] =	ssyncadd.s32 $0xFFFFC000;
	(pc) =	sbr.rel @p0 .LBB2_2-.Ltmp0, $4  }
0x3e: {  	[tilespmem:s16], [sflag:$0x1] =	stream.indirect.gather [hbm4b:s8+s15], $0x80, s29, s15, $0xb8;
	[tilespmem:$0x1E800] =	vst v63  }
0x3f: {  	_ =	swait.ge [sflag:s21], $0x4000  }
0x40: {  	[sflag:s21] =	ssyncset.done $0x0  }
0x41: {  	s28 =	sadd.s32 $0x180, s28;
	[sflag:s21] =	ssyncadd.s32 $0xFFFFC000  }
0x42: {  	[tilespmem:s17], [sflag:$0x2] =	stream.indirect.gather [hbm4b:s8+s15], $0x80, s28, s15, $0xb8;
	[tilespmem:$0x1E800] =	vst v63  }
0x43: {  	_ =	swait.ge [sflag:s18], $0x4000  }
0x44: {  	[sflag:s18] =	ssyncset.done $0x0  }
0x45: {  	[sflag:s18] =	ssyncadd.s32 $0xFFFFC000  }
0x46: {  	[spmem:s1] =	stream.indirect.scatter.add.f32 [tilespmem:s16], [sflag:$0x3], $0x80, s22, s15, $0xb8;
	[tilespmem:$0x1E800] =	vst v63  }
0x47: {  	_ =	swait.ge [sflag:s19], $0x4000  }
0x48: {  	[sflag:s19] =	ssyncset.done $0x0  }
0x49: {  	[sflag:s19] =	ssyncadd.s32 $0xFFFFC000  }
0x4a: {  	[spmem:s1] =	stream.indirect.scatter.add.f32 [tilespmem:s17], [sflag:$0x4], $0x80, s23, s15, $0xb8;
	[tilespmem:$0x1E800] =	vst v63  }
0x4b: {  	_ =	swait.ge [sflag:s20], $0x4000  }
0x4c: {  	[sflag:s20] =	ssyncset.done $0x0  }
0x4d: {  	[sflag:s20] =	ssyncadd.s32 $0xFFFFC000  }
0x4e: {  	_ =	swait.ge [sflag:s21], $0x4000  }
0x4f: {  	[sflag:s21] =	ssyncset.done $0x0  }
0x50: {  	s26 =	simm.s32 $0x0;
	[sflag:s21] =	ssyncadd.s32 $0xFFFFC000  }
0x51: {  	[tilespmem:s26], [sflag:$0x5] =	stream.linear.gather [hbm4b:s9+s26], $0x1400, $0x38;
	[tilespmem:$0x1E800] =	vst v63  }
0x52: {  	_ =	swait.ge [sflag:s13], $0x1400  }
0x53: {  	[sflag:s13] =	ssyncset.done $0x0  }
0x54: {  	[sflag:s13] =	ssyncadd.s32 $0xFFFFEC00  }
0x55: {  	[tilespmem:s14], [sflag:$0x5] =	stream.linear.gather [hbm4b:s10+s26], $0x1400, $0x38;
	[tilespmem:$0x1E800] =	vst v63  }
0x56: {  	_ =	swait.ge [sflag:s13], $0x1400  }
0x57: {  	[sflag:s13] =	ssyncset.done $0x0  }
0x58: {  	[sflag:s13] =	ssyncadd.s32 $0xFFFFEC00  }
0x59: {  	[tilespmem:s16], [sflag:$0x1] =	stream.indirect.gather [hbm4b:s8+s15], $0x80, s26, s15, $0xb8;
	[tilespmem:$0x1E800] =	vst v63  }
0x5a: {  	_ = 	snop  }
0x5b: {  	[tilespmem:s17], [sflag:$0x2] =	stream.indirect.gather [hbm4b:s8+s15], $0x80, s15, s15, $0xb8;
	[tilespmem:$0x1E800] =	vst v63  }
0x5c: {  	_ =	swait.ge [sflag:s18], $0x4000  }
0x5d: {  	[sflag:s18] =	ssyncset.done $0x0  }
0x5e: {  	s29 =	simm.s32 $0x1400;
	[sflag:s18] =	ssyncadd.s32 $0xFFFFC000  }
0x5f: {  	[spmem:s1] =	stream.indirect.scatter.add.f32 [tilespmem:s16], [sflag:$0x3], $0x80, s29, s15, $0xb8;
	[tilespmem:$0x1E800] =	vst v63  }
0x60: {  	_ =	swait.ge [sflag:s19], $0x4000  }
0x61: {  	[sflag:s19] =	ssyncset.done $0x0  }
0x62: {  	s30 =	simm.s32 $0x1480;
	[sflag:s19] =	ssyncadd.s32 $0xFFFFC000  }
0x63: {  	[spmem:s1] =	stream.indirect.scatter.add.f32 [tilespmem:s17], [sflag:$0x4], $0x80, s30, s15, $0xb8;
	[tilespmem:$0x1E800] =	vst v63  }
0x64: {  	_ =	swait.ge [sflag:s20], $0x4000  }
0x65: {  	[sflag:s20] =	ssyncset.done $0x0  }
0x66: {  	s31 =	simm.s32 $0x100;
	[sflag:s20] =	ssyncadd.s32 $0xFFFFC000  }
0x67: {  	[tilespmem:s16], [sflag:$0x1] =	stream.indirect.gather [hbm4b:s8+s15], $0x80, s31, s15, $0xb8;
	[tilespmem:$0x1E800] =	vst v63  }
0x68: {  	_ =	swait.ge [sflag:s21], $0x4000  }
0x69: {  	[sflag:s21] =	ssyncset.done $0x0  }
0x6a: {  	s28 =	simm.s32 $0x180;
	s26 =	simm.s32 $0x400;
	[sflag:s21] =	ssyncadd.s32 $0xFFFFC000  }
.LBB2_4:
0x6b: {  	[tilespmem:s17], [sflag:$0x2] =	stream.indirect.gather [hbm4b:s8+s15], $0x80, s28, s15, $0xb8;
	[tilespmem:$0x1E800] =	vst v63  }
0x6c: {  	s28 =	smov.u32 s26  }
0x6d: {  	p0 =	sne.s32 s26, $0x4800;
	s26 =	sadd.s32 $0x400, s26;
	_ =	swait.ge [sflag:s18], $0x4000  }
0x6e: {  	s28 =	sshra.s32 s28, $0x2;
	[sflag:s18] =	ssyncset.done $0x0  }
0x6f: {  	s29 =	sadd.s32 $0x1400, s28;
	[sflag:s18] =	ssyncadd.s32 $0xFFFFC000  }
0x70: {  	[spmem:s1] =	stream.indirect.scatter.add.f32 [tilespmem:s16], [sflag:$0x3], $0x80, s29, s15, $0xb8;
	[tilespmem:$0x1E800] =	vst v63  }
0x71: {  	_ =	swait.ge [sflag:s19], $0x4000  }
0x72: {  	[sflag:s19] =	ssyncset.done $0x0  }
0x73: {  	s29 =	sadd.s32 $0x1480, s28;
	[sflag:s19] =	ssyncadd.s32 $0xFFFFC000  }
0x74: {  	[spmem:s1] =	stream.indirect.scatter.add.f32 [tilespmem:s17], [sflag:$0x4], $0x80, s29, s15, $0xb8;
	[tilespmem:$0x1E800] =	vst v63  }
0x75: {  	_ =	swait.ge [sflag:s20], $0x4000  }
0x76: {  	[sflag:s20] =	ssyncset.done $0x0  }
.Ltmp1:
0x77: {  	s29 =	sadd.s32 $0x100, s28;
	[sflag:s20] =	ssyncadd.s32 $0xFFFFC000;
	(pc) =	sbr.rel @p0 .LBB2_4-.Ltmp1, $4  }
0x78: {  	[tilespmem:s16], [sflag:$0x1] =	stream.indirect.gather [hbm4b:s8+s15], $0x80, s29, s15, $0xb8;
	[tilespmem:$0x1E800] =	vst v63  }
0x79: {  	_ =	swait.ge [sflag:s21], $0x4000  }
0x7a: {  	[sflag:s21] =	ssyncset.done $0x0  }
0x7b: {  	s28 =	sadd.s32 $0x180, s28;
	[sflag:s21] =	ssyncadd.s32 $0xFFFFC000  }
0x7c: {  	[tilespmem:s17], [sflag:$0x2] =	stream.indirect.gather [hbm4b:s8+s15], $0x80, s28, s15, $0xb8;
	[tilespmem:$0x1E800] =	vst v63  }
0x7d: {  	_ =	swait.ge [sflag:s18], $0x4000  }
0x7e: {  	[sflag:s18] =	ssyncset.done $0x0  }
0x7f: {  	[sflag:s18] =	ssyncadd.s32 $0xFFFFC000  }
0x80: {  	[spmem:s1] =	stream.indirect.scatter.add.f32 [tilespmem:s16], [sflag:$0x3], $0x80, s22, s15, $0xb8;
	[tilespmem:$0x1E800] =	vst v63  }
0x81: {  	_ =	swait.ge [sflag:s19], $0x4000  }
0x82: {  	[sflag:s19] =	ssyncset.done $0x0  }
0x83: {  	[sflag:s19] =	ssyncadd.s32 $0xFFFFC000  }
0x84: {  	[spmem:s1] =	stream.indirect.scatter.add.f32 [tilespmem:s17], [sflag:$0x4], $0x80, s23, s15, $0xb8;
	[tilespmem:$0x1E800] =	vst v63  }
0x85: {  	_ =	swait.ge [sflag:s20], $0x4000  }
0x86: {  	[sflag:s20] =	ssyncset.done $0x0  }
0x87: {  	[sflag:s20] =	ssyncadd.s32 $0xFFFFC000  }
0x88: {  	_ =	swait.ge [sflag:s21], $0x4000  }
0x89: {  	s25 =	sadd.s32 $0x1, s25;
	[sflag:s21] =	ssyncset.done $0x0  }
0x8a: {  	p0 =	sne.s32 s25, s11;
	[sflag:s21] =	ssyncadd.s32 $0xFFFFC000  }
.Ltmp2:
0x8b: {  	[bflag:$0x0] =	sbarrier.arrive $0xFFFF;
	(pc) =	sbr.rel @p0 .LBB2_1-.Ltmp2, $4  }
0x8c: {  	[hbm:s24], [sflag:s5] =	dma.local [spmem:s12], $0x2800  }
0x8d: {  	_ =	swait.ge [sflag:s13], $0x2800  }
0x8e: {  	[sflag:s13] =	ssyncset.done $0x0  }
0x8f: {  	[sflag:s13] =	ssyncadd.s32 $0xFFFFD800  }
0x90: {  	_ =	sfence.sel $0x180000  }
0x91: {  	[bflag:$0x0] =	sbarrier.arrive $0xFFFF  }
0x92: {  	p0 =	sne.s32 s3, $0x0;
	_ =	strace $0x90000047  }
0x93: {  	s0 =	sadd.s32 @!p0 $0x100000, s0;
	[bflag:$0x2] =	sbarrier.arrive $0xFFFF  }
0x94: {  	[sflag:s0] =	ssyncadd.tile.s32 @!p0 $0x1;
	_ =	shalt  }
.Lfunc_end2:
_tile_overlayer_lowered:
.L_overlay_start_2:
0x95: {  	(tag) =	ssettag $0x2  }
0x96: {  	s0 =	rddreg [dreg:$0x0];
	s2 =	stileid.u32  }
0x97: {  	s1 =	rddreg [dreg:$0x1];
	p0 =	sne.s32 s2, $0x0  }
0x98: {  	s3 =	rddreg [dreg:$0x2];
	[bflag:$0x3] =	sbarrier.arrive $0xFFFF;
	s2 =	simm.s32 @!p0 $0x1C05  }
0x99: {  	[timem:s3], [sflag:s2] =	dma.local @!p0 [hbm:s0], s1  }
0x9a: {  	s0 =	simm.s32 @!p0 $0x5  }
0x9b: {  	_ =	swait.ge @!p0 [sflag:s0], s1  }
0x9c: {  	s1 =	ssub.s32 @!p0 $0x0, s1;
	[sflag:s0] =	ssyncset.done @!p0 $0x0  }
0x9d: {  	[sflag:s0] =	ssyncadd.s32 @!p0 s1  }
0x9e: {  	[bflag:$0x3] =	sbarrier.arrive $0xFFFF  }
0x9f: {  	_ =	shalt  }

// kernel: kernel.14.cloned.1.call-start
scs
__scs_entry_jumppad:
0x0: {  	(pc) =	sbr.rel $0x88, $3  }
0x1: {  	(tag) =	ssettag $0x0;
	lr =	simm.s32 $0x1  }
0x2: {  	[smem:$0x3F97] =	sst lr;
	_ =	strace $0xD0000000  }
0x3: {  	_ = 	snop  }
0x4: {  	_ = 	snop  }
0x5: {  	_ = 	snop  }
0x6: {  	_ = 	snop  }
0x7: {  	_ = 	snop  }
__scs_overlays_trampoline_lowered:
0x8: {  	[smem:$0x3FA6] =	sst s0  }
0x9: {  	[smem:$0x3FA7] =	sst s1  }
0xa: {  	[smem:$0x3FA8] =	sst s2  }
0xb: {  	[smem:$0x3FA9] =	sst s3  }
0xc: {  	[smem:$0x3FAA] =	sst s4  }
0xd: {  	[smem:$0x3FAB] =	sst s5  }
0xe: {  	[smem:$0x3FAC] =	sst s6  }
0xf: {  	[smem:$0x3FAD] =	sst s7  }
0x10: {  	[smem:$0x3FAE] =	sst s8  }
0x11: {  	[smem:$0x3FAF] =	sst s9;
	s0 =	simm.s32 @!p0 $0x0  }
0x12: {  	s1 =	sld [smem:$0x3F95];
	s0 =	simm.s32 @p0 $0x1  }
0x13: {  	[smem:$0x3FB0] =	sst s0;
	s0 =	simm.s32 @!p1 $0x0  }
0x14: {  	s2 =	sld [smem:$0x3F94];
	s0 =	simm.s32 @p1 $0x1  }
0x15: {  	[smem:$0x3FB1] =	sst s0;
	s0 =	simm.s32 @!p2 $0x0  }
0x16: {  	s3 =	sld [smem:$0x3FDB];
	s0 =	simm.s32 @p2 $0x1  }
0x17: {  	s4 =	simm.s32 $0x1BF5;
	[smem:$0x3FB3] =	sst s0  }
0x18: {  	s0 =	sld [smem:$0x3F96];
	_ =	swait.ge [sflag:s4], $0x0  }
0x19: {  	s7 =	sld [smem:$0x3F97]  }
0x1a: {  	s8 =	sadd.s32 $0xFFFFE003, lr  }
0x1b: {  	s9 =	sadd.s32 $0xFFFFFEF7, lr;
	s5 =	simm.s32 $0xFFFFFFFF;
	p2 =	slt.u32 s8, $0xFFFFF086  }
0x1c: {  	p1 =	slt.u32 s9, $0xF7A;
	s5 =	simm.s32 @!p2 $0x0  }
0x1d: {  	s5 =	simm.s32 @p1 $0x1;
	p0 =	seq.s32 s7, s2  }
0x1e: {  	s7 =	smul.u32 @!p0 $0xF7A, s2;
	p2 =	seq.s32 @!p0 s5, $0x0  }
0x1f: {  	s9 =	smul.u32 $0xF7A, s1;
	s8 =	simm.s32 @!p0 $0x1BF5;
	p2 =	por !p2, p0  }
0x20: {  	[sflag:s8] =	ssyncset.s32 @!p0 $0xFFFFF086;
	s6 =	sadd.s32 @!p0 s3, s7;
	s7 =	simm.s32 @!p0 $0x108  }
0x21: {  	s3 =	sadd.s32 s3, s9;
	s6 =	sadd.s32 @!p0 $0x88, s6;
	s7 =	simm.s32 @p2 $0x1082  }
0x22: {  	[simem:s7], [sflag:s8] =	dma.local @!p0 [hbm:s6], $0xF7A  }
0x23: {  	s9 =	sor.u32 $0xD0000000, s2;
	s6 =	simm.s32 $0x108;
	_ =	swait.ge @!p0 [sflag:s8], $0x0  }
0x24: {  	s3 =	sadd.s32 $0x88, s3;
	s6 =	simm.s32 @!p1 $0x1082;
	[sflag:s4] =	ssyncset.s32 $0xFFFFF086  }
0x25: {  	[simem:s6], [sflag:s4] =	dma.local [hbm:s3], $0xF7A  }
0x26: {  	[smem:$0x3F97] =	sst s1;
	(tag) =	ssettag s2;
	_ =	strace s9  }
0x27: {  	s1 =	sld [smem:$0x3FA7]  }
0x28: {  	s2 =	sld [smem:$0x3FA8]  }
0x29: {  	s4 =	sld [smem:$0x3FAA]  }
0x2a: {  	p0 =	seq.s32 s5, $0x0;
	s5 =	sld [smem:$0x3FAB]  }
0x2b: {  	s6 =	sld [smem:$0x3FAC]  }
0x2c: {  	s7 =	sld [smem:$0x3FAD]  }
0x2d: {  	s3 =	simm.s32 $0x108;
	s8 =	sld [smem:$0x3FAE]  }
0x2e: {  	s3 =	simm.s32 @!p0 $0x1082;
	s9 =	sld [smem:$0x3FAF]  }
0x2f: {  	lr =	sadd.s32 s0, s3;
	s0 =	sld [smem:$0x3FA6]  }
0x30: {  	s3 =	sld [smem:$0x3FA9]  }
0x31: {  	[smem:$0x3FB2] =	sst s10  }
0x32: {  	s10 =	sld [smem:$0x3FB0];
	_ =	sdelay $0x3  }
0x33: {  	p0 =	seq.s32 s10, $0x1;
	s10 =	sld [smem:$0x3FB2];
	_ =	sdelay $0x3  }
0x34: {  	[smem:$0x3FB2] =	sst s10  }
0x35: {  	s10 =	sld [smem:$0x3FB1];
	_ =	sdelay $0x3  }
0x36: {  	p1 =	seq.s32 s10, $0x1;
	s10 =	sld [smem:$0x3FB2];
	_ =	sdelay $0x3  }
0x37: {  	[smem:$0x3FB2] =	sst s10  }
0x38: {  	s10 =	sld [smem:$0x3FB3]  }
0x39: {  	_ = 	snop;
	(pc) =	sbr.ind lr, $3  }
0x3a: {  	_ = 	snop  }
0x3b: {  	_ = 	snop  }
0x3c: {  	p2 =	seq.s32 s10, $0x1;
	s10 =	sld [smem:$0x3FB2]  }
0x3d: {  	_ =	shalt  }
0x3e: {  	_ =	shalt  }
0x3f: {  	_ =	shalt  }
0x40: {  	_ =	shalt  }
0x41: {  	_ =	shalt  }
0x42: {  	_ =	shalt  }
0x43: {  	_ =	shalt  }
0x44: {  	_ =	shalt  }
0x45: {  	_ =	shalt  }
0x46: {  	_ =	shalt  }
0x47: {  	_ =	shalt  }
0x48: {  	_ =	shalt  }
0x49: {  	_ =	shalt  }
0x4a: {  	_ =	shalt  }
0x4b: {  	_ =	shalt  }
0x4c: {  	_ =	shalt  }
0x4d: {  	_ =	shalt  }
0x4e: {  	_ =	shalt  }
0x4f: {  	_ =	shalt  }
0x50: {  	_ =	shalt  }
0x51: {  	_ =	shalt  }
0x52: {  	_ =	shalt  }
0x53: {  	_ =	shalt  }
0x54: {  	_ =	shalt  }
0x55: {  	_ =	shalt  }
0x56: {  	_ =	shalt  }
0x57: {  	_ =	shalt  }
0x58: {  	_ =	shalt  }
0x59: {  	_ =	shalt  }
0x5a: {  	_ =	shalt  }
0x5b: {  	_ =	shalt  }
0x5c: {  	_ =	shalt  }
0x5d: {  	_ =	shalt  }
0x5e: {  	_ =	shalt  }
0x5f: {  	_ =	shalt  }
0x60: {  	_ =	shalt  }
0x61: {  	_ =	shalt  }
0x62: {  	_ =	shalt  }
0x63: {  	_ =	shalt  }
0x64: {  	_ =	shalt  }
0x65: {  	_ =	shalt  }
0x66: {  	_ =	shalt  }
0x67: {  	_ =	shalt  }
0x68: {  	_ =	shalt  }
0x69: {  	_ =	shalt  }
0x6a: {  	_ =	shalt  }
0x6b: {  	_ =	shalt  }
0x6c: {  	_ =	shalt  }
0x6d: {  	_ =	shalt  }
0x6e: {  	_ =	shalt  }
0x6f: {  	_ =	shalt  }
0x70: {  	_ =	shalt  }
0x71: {  	_ =	shalt  }
0x72: {  	_ =	shalt  }
0x73: {  	_ =	shalt  }
0x74: {  	_ =	shalt  }
0x75: {  	_ =	shalt  }
0x76: {  	_ =	shalt  }
0x77: {  	_ =	shalt  }
0x78: {  	_ =	shalt  }
0x79: {  	_ =	shalt  }
0x7a: {  	_ =	shalt  }
0x7b: {  	_ =	shalt  }
0x7c: {  	_ =	shalt  }
0x7d: {  	_ =	shalt  }
0x7e: {  	_ =	shalt  }
0x7f: {  	_ =	shalt  }
0x80: {  	_ =	shalt  }
0x81: {  	_ =	shalt  }
0x82: {  	_ =	shalt  }
0x83: {  	_ =	shalt  }
0x84: {  	_ =	shalt  }
0x85: {  	_ =	shalt  }
0x86: {  	_ =	shalt  }
0x87: {  	_ =	shalt  }
.Lfunc_end0:
.L_simem_size_0:
called_computation.2_lowered:
.L_overlay_start_0:
0x88: {  	s2 =	sld [smem:$0x3FD9]  }
0x89: {  	s3 =	sld [smem:$0x3FFE];
	_ =	sdelay $0x1  }
0x8a: {  	s1 =	srdreg.scid  }
0x8b: {  	s0 =	sand.u32 $0x1, s1  }
0x8c: {  	s16 =	sshll.u32 s0, $0xA;
	s2 =	sadd.s32 s3, s2  }
0x8d: {  	s2 =	sadd.s32 s2, s16  }
0x8e: {  	[smem:$0x3FBE] =	sst s2  }
0x8f: {  	_ = 	snop  }
0x90: {  	(tm) =	ssettm $0x1  }
0x91: {  	s17 =	sld [smem:$0x3FFB];
	_ =	sdelay $0x3  }
0x92: {  	_ =	strace s17  }
0x93: {  	s2 =	sld [smem:$0x3FFC];
	_ =	sdelay $0x3  }
0x94: {  	_ =	strace s2  }
0x95: {  	s2 =	sld [smem:$0x3FFD];
	_ =	sdelay $0x3  }
0x96: {  	_ =	strace s2  }
0x97: {  	_ =	strace $0x8FFFFFFF  }
0x98: {  	s18 =	sld [smem:$0x3FDB];
	_ =	sdelay $0x1  }
0x99: {  	s19 =	simm.s32 $_scs_section_size  }
0x9a: {  	s4 =	simm.s32 $_size__tile_overlayer_lowered;
	s5 =	simm.s32 $_tile_overlayer_lowered  }
0x9b: {  	s22 =	simm.s32 $0x1BFF;
	s21 =	sshll.u32 s5, $0x1;
	s2 =	sadd.s32 s19, s18  }
0x9c: {  	s6 =	simm.s32 $0x0;
	s20 =	sshll.u32 s4, $0x1;
	s4 =	sadd.s32 s21, s2  }
0x9d: {  	[timem:s6], [sflag:s22] =	dma.local [hbm:s4], s20  }
0x9e: {  	_ =	swait.ge [sflag:s22], s20  }
0x9f: {  	s3 =	ssub.s32 $0x0, s20;
	[sflag:s22] =	ssyncset.done $0x0  }
0xa0: {  	[sflag:s22] =	ssyncadd.s32 s3;
	_ =	sdelay $0x1  }
0xa1: {  	s23 =	simm.s32 $0x1B8B  }
0xa2: {  	_ =	swait.ge [sflag:s23], $0x1  }
0xa3: {  	[sflag:s23] =	ssyncset.done $0x0  }
0xa4: {  	s25 =	simm.s32 $0x1B8E;
	s24 =	sld [smem:$0x3FFE];
	[sflag:s23] =	ssyncadd.s32 $0xFFFFFFFF  }
0xa5: {  	s26 =	simm.s32 $execute0_lowered;
	[smem:$0x3FD2] =	sst s25  }
0xa6: {  	s4 =	sshll.u32 s26, $0x1;
	_ =	strace $0x8000004C;
	[dreg:$0x1] =	wrdreg $0xFFFFFFFF  }
0xa7: {  	s28 =	simm.s32 $_size_execute0_lowered;
	s2 =	sadd.s32 s2, s4;
	[dreg:$0x0] =	wrdreg $0x0  }
0xa8: {  	s4 =	sshll.u32 s28, $0x1;
	[dreg:$0x2] =	wrdreg s2  }
0xa9: {  	[dreg:$0x3] =	wrdreg s4  }
0xaa: {  	[dreg:$0x4] =	wrdreg $0xC0  }
0xab: {  	_ =	task [dreg:s6], $0x5FFFF  }
0xac: {  	[dreg:$0x1] =	wrdreg $0xFFFFFFFF  }
0xad: {  	[dreg:$0x0] =	wrdreg $0x60  }
0xae: {  	[dreg:$0x2] =	wrdreg s24  }
0xaf: {  	[dreg:$0x3] =	wrdreg $0xA8000  }
0xb0: {  	[dreg:$0x4] =	wrdreg $0x9  }
0xb1: {  	_ =	task.clear_ibuf [dreg:s6], $0x5FFFF;
	_ =	strace $0x9000004C  }
0xb2: {  	s29 =	simm.s32 $0x9;
	_ =	strace $0x8000004E  }
0xb3: {  	_ =	swait.ge [sflag:s29], $0x1  }
0xb4: {  	[sflag:s29] =	ssyncadd.s32 $0xFFFFFFFF  }
0xb5: {  	_ =	strace $0x9000004E  }
0xb6: {  	_ =	sfence  }
0xb7: {  	s30 =	sld [smem:$0x0];
	_ =	sdelay $0x2  }
0xb8: {  	s31 =	sshll.u32 s1, $0xD;
	s1 =	sshrl.u32 s1, $0x2  }
0xb9: {  	s3 =	sand.u32 $0x4000, s31;
	s1 =	sadd.s32 s1, s30  }
0xba: {  	s0 =	sor.u32 s3, s0;
	s1 =	sshll.u32 s1, $0x11  }
0xbb: {  	s0 =	sor.u32 s1, s0  }
0xbc: {  	s0 =	sadd.s32 $0x8F2B, s0  }
0xbd: {  	[sflag:s0] =	ssyncadd.remote.s32 $0x1  }
0xbe: {  	_ =	sfence.sel $0xFFFF  }
0xbf: {  	[dreg:$0x0] =	wrdreg $0xFFFFFFFF;
	(pc) =	sbr.abs _section_cstart, $3  }
0xc0: {  	[dreg:$0x1] =	wrdreg $0xFFFFFFFF  }
0xc1: {  	_ =	task.clear_ibuf [dreg:s6], $0x2FFFF;
	_ =	strace $0x9FFFFFFF  }
0xc2: {  	(tm) =	ssettm $0x7FFFFFFF  }
0xc3: {  	_ =	shalt  }
tec
execute0_lowered:
.L_overlay_start_1:
0x0: {  	(tag) =	ssettag $0x1  }
0x1: {  	s0 =	srdreg.scid;
	s6 =	rddreg [dreg:$0x0]  }
0x2: {  	s2 =	rddreg [dreg:$0x1];
	s1 =	stileid.u32;
	s3 =	simm.s32 $0x0  }
0x3: {  	s13 =	simm.s32 $0x80;
	s14 =	simm.s32 $0x2800;
	s15 =	simm.s32 $0x6800  }
0x4: {  	s16 =	simm.s32 $0x1;
	s17 =	simm.s32 $0x2;
	s18 =	simm.s32 $0x3  }
0x5: {  	s19 =	simm.s32 $0x4;
	s20 =	simm.s32 $0x2700;
	s21 =	simm.s32 $0x2780  }
0x6: {  	s5 =	sand.u32 $0x1, s0;
	s0 =	rddreg [dreg:$0x2];
	s10 =	smul.u32 $0x50000, s1  }
0x7: {  	[smem:$0x7FF] =	sst s3;
	s31 =	sshll.u32 s1, $0x6;
	s23 =	smul.u32 $0x2800, s1  }
0x8: {  	s4 =	sshll.u32 s5, $0x4;
	_ =	strace $0x8000004D;
	s8 =	smul.u32 $0x28000, s5  }
0x9: {  	s28 =	ssub.s32 $0x2, s5;
	s5 =	sadd.s32 $0xAC600, s6;
	s4 =	sor.u32 s1, s4  }
0xa: {  	s29 =	sshrl.u32 s28, $0x1;
	s30 =	sshrl.u32 s10, $0x2;
	s7 =	smul.u32 $0x280, s4  }
0xb: {  	s4 =	sadd.s32 $0x2600, s6;
	s11 =	sadd.s32 s8, s6;
	s10 =	sadd.s32 s30, s2  }
0xc: {  	s12 =	ssub.s32 s28, s29;
	s22 =	sadd.s32 $0x2A600, s11;
	s10 =	sshrl.u32 s10, $0x3  }
0xd: {  	s11 =	simm.s32 $0x5;
	s9 =	sadd.s32 s7, s6;
	s6 =	sor.u32 $0x1C05, s31  }
0xe: {  	s22 =	sadd.s32 s23, s22;
	s23 =	simm.s32 $0x0;
	s7 =	sadd.s32 $0xA2600, s9  }
0xf: {  	s8 =	sadd.s32 $0xA7600, s9;
	s9 =	smax.u32 s12, $0x1;
	s12 =	simm.s32 $0x1400  }
.LBB2_1:
0x10: {  	[spmem:s10], [sflag:s6] =	dma.local [hbm:s5], $0x2800  }
0x11: {  	_ =	swait.ge [sflag:s11], $0x2800  }
0x12: {  	[sflag:s11] =	ssyncset.done $0x0  }
0x13: {  	[sflag:s11] =	ssyncadd.s32 $0xFFFFD800  }
0x14: {  	[bflag:$0x0] =	sbarrier.arrive $0xFFFF  }
0x15: {  	[tilespmem:s3], [sflag:$0x5] =	stream.linear.gather [hbm4b:s7+s3], $0x1400, $0x38;
	[tilespmem:$0x1E800] =	vst v63  }
0x16: {  	_ =	swait.ge [sflag:s11], $0x1400  }
0x17: {  	[sflag:s11] =	ssyncset.done $0x0  }
0x18: {  	[sflag:s11] =	ssyncadd.s32 $0xFFFFEC00  }
0x19: {  	[tilespmem:s12], [sflag:$0x5] =	stream.linear.gather [hbm4b:s8+s3], $0x1400, $0x38;
	[tilespmem:$0x1E800] =	vst v63  }
0x1a: {  	_ =	swait.ge [sflag:s11], $0x1400  }
0x1b: {  	[sflag:s11] =	ssyncset.done $0x0  }
0x1c: {  	[sflag:s11] =	ssyncadd.s32 $0xFFFFEC00  }
0x1d: {  	[tilespmem:s14], [sflag:$0x1] =	stream.indirect.gather [hbm4b:s4+s13], $0x80, s3, s13, $0xb8;
	[tilespmem:$0x1E800] =	vst v63  }
0x1e: {  	_ = 	snop  }
0x1f: {  	[tilespmem:s15], [sflag:$0x2] =	stream.indirect.gather [hbm4b:s4+s13], $0x80, s13, s13, $0xb8;
	[tilespmem:$0x1E800] =	vst v63  }
0x20: {  	_ =	swait.ge [sflag:s16], $0x4000  }
0x21: {  	[sflag:s16] =	ssyncset.done $0x0  }
0x22: {  	s24 =	simm.s32 $0x1400;
	[sflag:s16] =	ssyncadd.s32 $0xFFFFC000  }
0x23: {  	[spmem:s2] =	stream.indirect.scatter.add.f32 [tilespmem:s14], [sflag:$0x3], $0x80, s24, s13, $0xb8;
	[tilespmem:$0x1E800] =	vst v63  }
0x24: {  	_ =	swait.ge [sflag:s17], $0x4000  }
0x25: {  	[sflag:s17] =	ssyncset.done $0x0  }
0x26: {  	s30 =	simm.s32 $0x1480;
	[sflag:s17] =	ssyncadd.s32 $0xFFFFC000  }
0x27: {  	[spmem:s2] =	stream.indirect.scatter.add.f32 [tilespmem:s15], [sflag:$0x4], $0x80, s30, s13, $0xb8;
	[tilespmem:$0x1E800] =	vst v63  }
0x28: {  	_ =	swait.ge [sflag:s18], $0x4000  }
0x29: {  	[sflag:s18] =	ssyncset.done $0x0  }
0x2a: {  	s31 =	simm.s32 $0x100;
	[sflag:s18] =	ssyncadd.s32 $0xFFFFC000  }
0x2b: {  	[tilespmem:s14], [sflag:$0x1] =	stream.indirect.gather [hbm4b:s4+s13], $0x80, s31, s13, $0xb8;
	[tilespmem:$0x1E800] =	vst v63  }
0x2c: {  	_ =	swait.ge [sflag:s19], $0x4000  }
0x2d: {  	[sflag:s19] =	ssyncset.done $0x0  }
0x2e: {  	s25 =	simm.s32 $0x180;
	s24 =	simm.s32 $0x400;
	[sflag:s19] =	ssyncadd.s32 $0xFFFFC000  }
.LBB2_2:
0x2f: {  	[tilespmem:s15], [sflag:$0x2] =	stream.indirect.gather [hbm4b:s4+s13], $0x80, s25, s13, $0xb8;
	[tilespmem:$0x1E800] =	vst v63  }
0x30: {  	s25 =	smov.u32 s24  }
0x31: {  	p0 =	sne.s32 s24, $0x4800;
	s24 =	sadd.s32 $0x400, s24;
	_ =	swait.ge [sflag:s16], $0x4000  }
0x32: {  	s25 =	sshra.s32 s25, $0x2;
	[sflag:s16] =	ssyncset.done $0x0  }
0x33: {  	s26 =	sadd.s32 $0x1400, s25;
	[sflag:s16] =	ssyncadd.s32 $0xFFFFC000  }
0x34: {  	[spmem:s2] =	stream.indirect.scatter.add.f32 [tilespmem:s14], [sflag:$0x3], $0x80, s26, s13, $0xb8;
	[tilespmem:$0x1E800] =	vst v63  }
0x35: {  	_ =	swait.ge [sflag:s17], $0x4000  }
0x36: {  	[sflag:s17] =	ssyncset.done $0x0  }
0x37: {  	s26 =	sadd.s32 $0x1480, s25;
	[sflag:s17] =	ssyncadd.s32 $0xFFFFC000  }
0x38: {  	[spmem:s2] =	stream.indirect.scatter.add.f32 [tilespmem:s15], [sflag:$0x4], $0x80, s26, s13, $0xb8;
	[tilespmem:$0x1E800] =	vst v63  }
0x39: {  	_ =	swait.ge [sflag:s18], $0x4000  }
0x3a: {  	[sflag:s18] =	ssyncset.done $0x0  }
.Ltmp0:
0x3b: {  	s26 =	sadd.s32 $0x100, s25;
	[sflag:s18] =	ssyncadd.s32 $0xFFFFC000;
	(pc) =	sbr.rel @p0 .LBB2_2-.Ltmp0, $4  }
0x3c: {  	[tilespmem:s14], [sflag:$0x1] =	stream.indirect.gather [hbm4b:s4+s13], $0x80, s26, s13, $0xb8;
	[tilespmem:$0x1E800] =	vst v63  }
0x3d: {  	_ =	swait.ge [sflag:s19], $0x4000  }
0x3e: {  	[sflag:s19] =	ssyncset.done $0x0  }
0x3f: {  	s25 =	sadd.s32 $0x180, s25;
	[sflag:s19] =	ssyncadd.s32 $0xFFFFC000  }
0x40: {  	[tilespmem:s15], [sflag:$0x2] =	stream.indirect.gather [hbm4b:s4+s13], $0x80, s25, s13, $0xb8;
	[tilespmem:$0x1E800] =	vst v63  }
0x41: {  	_ =	swait.ge [sflag:s16], $0x4000  }
0x42: {  	[sflag:s16] =	ssyncset.done $0x0  }
0x43: {  	[sflag:s16] =	ssyncadd.s32 $0xFFFFC000  }
0x44: {  	[spmem:s2] =	stream.indirect.scatter.add.f32 [tilespmem:s14], [sflag:$0x3], $0x80, s20, s13, $0xb8;
	[tilespmem:$0x1E800] =	vst v63  }
0x45: {  	_ =	swait.ge [sflag:s17], $0x4000  }
0x46: {  	[sflag:s17] =	ssyncset.done $0x0  }
0x47: {  	[sflag:s17] =	ssyncadd.s32 $0xFFFFC000  }
0x48: {  	[spmem:s2] =	stream.indirect.scatter.add.f32 [tilespmem:s15], [sflag:$0x4], $0x80, s21, s13, $0xb8;
	[tilespmem:$0x1E800] =	vst v63  }
0x49: {  	_ =	swait.ge [sflag:s18], $0x4000  }
0x4a: {  	[sflag:s18] =	ssyncset.done $0x0  }
0x4b: {  	[sflag:s18] =	ssyncadd.s32 $0xFFFFC000  }
0x4c: {  	_ =	swait.ge [sflag:s19], $0x4000  }
0x4d: {  	s23 =	sadd.s32 $0x1, s23;
	[sflag:s19] =	ssyncset.done $0x0  }
0x4e: {  	p0 =	sne.s32 s23, s9;
	[sflag:s19] =	ssyncadd.s32 $0xFFFFC000  }
.Ltmp1:
0x4f: {  	[bflag:$0x0] =	sbarrier.arrive $0xFFFF;
	(pc) =	sbr.rel @p0 .LBB2_1-.Ltmp1, $4  }
0x50: {  	[hbm:s22], [sflag:s6] =	dma.local [spmem:s10], $0x2800  }
0x51: {  	_ =	swait.ge [sflag:s11], $0x2800  }
0x52: {  	[sflag:s11] =	ssyncset.done $0x0  }
0x53: {  	[sflag:s11] =	ssyncadd.s32 $0xFFFFD800  }
0x54: {  	_ =	sfence.sel $0x180000  }
0x55: {  	[bflag:$0x0] =	sbarrier.arrive $0xFFFF  }
0x56: {  	p0 =	sne.s32 s1, $0x0;
	_ =	strace $0x9000004D  }
0x57: {  	s0 =	sadd.s32 @!p0 $0x100000, s0;
	[bflag:$0x2] =	sbarrier.arrive $0xFFFF  }
0x58: {  	[sflag:s0] =	ssyncadd.tile.s32 @!p0 $0x1;
	_ =	shalt  }
.Lfunc_end2:
_tile_overlayer_lowered:
.L_overlay_start_2:
0x59: {  	(tag) =	ssettag $0x2  }
0x5a: {  	s0 =	rddreg [dreg:$0x0];
	s2 =	stileid.u32  }
0x5b: {  	s1 =	rddreg [dreg:$0x1];
	p0 =	sne.s32 s2, $0x0  }
0x5c: {  	s3 =	rddreg [dreg:$0x2];
	[bflag:$0x3] =	sbarrier.arrive $0xFFFF;
	s2 =	simm.s32 @!p0 $0x1C05  }
0x5d: {  	[timem:s3], [sflag:s2] =	dma.local @!p0 [hbm:s0], s1  }
0x5e: {  	s0 =	simm.s32 @!p0 $0x5  }
0x5f: {  	_ =	swait.ge @!p0 [sflag:s0], s1  }
0x60: {  	s1 =	ssub.s32 @!p0 $0x0, s1;
	[sflag:s0] =	ssyncset.done @!p0 $0x0  }
0x61: {  	[sflag:s0] =	ssyncadd.s32 @!p0 s1  }
0x62: {  	[bflag:$0x3] =	sbarrier.arrive $0xFFFF  }
0x63: {  	_ =	shalt  }

// kernel: kernel.8.cloned.1.call-start
scs
__scs_entry_jumppad:
0x0: {  	(pc) =	sbr.rel $0x88, $3  }
0x1: {  	(tag) =	ssettag $0x0;
	lr =	simm.s32 $0x1  }
0x2: {  	[smem:$0x3F97] =	sst lr;
	_ =	strace $0xD0000000  }
0x3: {  	_ = 	snop  }
0x4: {  	_ = 	snop  }
0x5: {  	_ = 	snop  }
0x6: {  	_ = 	snop  }
0x7: {  	_ = 	snop  }
__scs_overlays_trampoline_lowered:
0x8: {  	[smem:$0x3FA6] =	sst s0  }
0x9: {  	[smem:$0x3FA7] =	sst s1  }
0xa: {  	[smem:$0x3FA8] =	sst s2  }
0xb: {  	[smem:$0x3FA9] =	sst s3  }
0xc: {  	[smem:$0x3FAA] =	sst s4  }
0xd: {  	[smem:$0x3FAB] =	sst s5  }
0xe: {  	[smem:$0x3FAC] =	sst s6  }
0xf: {  	[smem:$0x3FAD] =	sst s7  }
0x10: {  	[smem:$0x3FAE] =	sst s8  }
0x11: {  	[smem:$0x3FAF] =	sst s9;
	s0 =	simm.s32 @!p0 $0x0  }
0x12: {  	s1 =	sld [smem:$0x3F95];
	s0 =	simm.s32 @p0 $0x1  }
0x13: {  	[smem:$0x3FB0] =	sst s0;
	s0 =	simm.s32 @!p1 $0x0  }
0x14: {  	s2 =	sld [smem:$0x3F94];
	s0 =	simm.s32 @p1 $0x1  }
0x15: {  	[smem:$0x3FB1] =	sst s0;
	s0 =	simm.s32 @!p2 $0x0  }
0x16: {  	s3 =	sld [smem:$0x3FDB];
	s0 =	simm.s32 @p2 $0x1  }
0x17: {  	s4 =	simm.s32 $0x1BF5;
	[smem:$0x3FB3] =	sst s0  }
0x18: {  	s0 =	sld [smem:$0x3F96];
	_ =	swait.ge [sflag:s4], $0x0  }
0x19: {  	s7 =	sld [smem:$0x3F97]  }
0x1a: {  	s8 =	sadd.s32 $0xFFFFE003, lr  }
0x1b: {  	s9 =	sadd.s32 $0xFFFFFEF7, lr;
	s5 =	simm.s32 $0xFFFFFFFF;
	p2 =	slt.u32 s8, $0xFFFFF086  }
0x1c: {  	p1 =	slt.u32 s9, $0xF7A;
	s5 =	simm.s32 @!p2 $0x0  }
0x1d: {  	s5 =	simm.s32 @p1 $0x1;
	p0 =	seq.s32 s7, s2  }
0x1e: {  	s7 =	smul.u32 @!p0 $0xF7A, s2;
	p2 =	seq.s32 @!p0 s5, $0x0  }
0x1f: {  	s9 =	smul.u32 $0xF7A, s1;
	s8 =	simm.s32 @!p0 $0x1BF5;
	p2 =	por !p2, p0  }
0x20: {  	[sflag:s8] =	ssyncset.s32 @!p0 $0xFFFFF086;
	s6 =	sadd.s32 @!p0 s3, s7;
	s7 =	simm.s32 @!p0 $0x108  }
0x21: {  	s3 =	sadd.s32 s3, s9;
	s6 =	sadd.s32 @!p0 $0x88, s6;
	s7 =	simm.s32 @p2 $0x1082  }
0x22: {  	[simem:s7], [sflag:s8] =	dma.local @!p0 [hbm:s6], $0xF7A  }
0x23: {  	s9 =	sor.u32 $0xD0000000, s2;
	s6 =	simm.s32 $0x108;
	_ =	swait.ge @!p0 [sflag:s8], $0x0  }
0x24: {  	s3 =	sadd.s32 $0x88, s3;
	s6 =	simm.s32 @!p1 $0x1082;
	[sflag:s4] =	ssyncset.s32 $0xFFFFF086  }
0x25: {  	[simem:s6], [sflag:s4] =	dma.local [hbm:s3], $0xF7A  }
0x26: {  	[smem:$0x3F97] =	sst s1;
	(tag) =	ssettag s2;
	_ =	strace s9  }
0x27: {  	s1 =	sld [smem:$0x3FA7]  }
0x28: {  	s2 =	sld [smem:$0x3FA8]  }
0x29: {  	s4 =	sld [smem:$0x3FAA]  }
0x2a: {  	p0 =	seq.s32 s5, $0x0;
	s5 =	sld [smem:$0x3FAB]  }
0x2b: {  	s6 =	sld [smem:$0x3FAC]  }
0x2c: {  	s7 =	sld [smem:$0x3FAD]  }
0x2d: {  	s3 =	simm.s32 $0x108;
	s8 =	sld [smem:$0x3FAE]  }
0x2e: {  	s3 =	simm.s32 @!p0 $0x1082;
	s9 =	sld [smem:$0x3FAF]  }
0x2f: {  	lr =	sadd.s32 s0, s3;
	s0 =	sld [smem:$0x3FA6]  }
0x30: {  	s3 =	sld [smem:$0x3FA9]  }
0x31: {  	[smem:$0x3FB2] =	sst s10  }
0x32: {  	s10 =	sld [smem:$0x3FB0];
	_ =	sdelay $0x3  }
0x33: {  	p0 =	seq.s32 s10, $0x1;
	s10 =	sld [smem:$0x3FB2];
	_ =	sdelay $0x3  }
0x34: {  	[smem:$0x3FB2] =	sst s10  }
0x35: {  	s10 =	sld [smem:$0x3FB1];
	_ =	sdelay $0x3  }
0x36: {  	p1 =	seq.s32 s10, $0x1;
	s10 =	sld [smem:$0x3FB2];
	_ =	sdelay $0x3  }
0x37: {  	[smem:$0x3FB2] =	sst s10  }
0x38: {  	s10 =	sld [smem:$0x3FB3]  }
0x39: {  	_ = 	snop;
	(pc) =	sbr.ind lr, $3  }
0x3a: {  	_ = 	snop  }
0x3b: {  	_ = 	snop  }
0x3c: {  	p2 =	seq.s32 s10, $0x1;
	s10 =	sld [smem:$0x3FB2]  }
0x3d: {  	_ =	shalt  }
0x3e: {  	_ =	shalt  }
0x3f: {  	_ =	shalt  }
0x40: {  	_ =	shalt  }
0x41: {  	_ =	shalt  }
0x42: {  	_ =	shalt  }
0x43: {  	_ =	shalt  }
0x44: {  	_ =	shalt  }
0x45: {  	_ =	shalt  }
0x46: {  	_ =	shalt  }
0x47: {  	_ =	shalt  }
0x48: {  	_ =	shalt  }
0x49: {  	_ =	shalt  }
0x4a: {  	_ =	shalt  }
0x4b: {  	_ =	shalt  }
0x4c: {  	_ =	shalt  }
0x4d: {  	_ =	shalt  }
0x4e: {  	_ =	shalt  }
0x4f: {  	_ =	shalt  }
0x50: {  	_ =	shalt  }
0x51: {  	_ =	shalt  }
0x52: {  	_ =	shalt  }
0x53: {  	_ =	shalt  }
0x54: {  	_ =	shalt  }
0x55: {  	_ =	shalt  }
0x56: {  	_ =	shalt  }
0x57: {  	_ =	shalt  }
0x58: {  	_ =	shalt  }
0x59: {  	_ =	shalt  }
0x5a: {  	_ =	shalt  }
0x5b: {  	_ =	shalt  }
0x5c: {  	_ =	shalt  }
0x5d: {  	_ =	shalt  }
0x5e: {  	_ =	shalt  }
0x5f: {  	_ =	shalt  }
0x60: {  	_ =	shalt  }
0x61: {  	_ =	shalt  }
0x62: {  	_ =	shalt  }
0x63: {  	_ =	shalt  }
0x64: {  	_ =	shalt  }
0x65: {  	_ =	shalt  }
0x66: {  	_ =	shalt  }
0x67: {  	_ =	shalt  }
0x68: {  	_ =	shalt  }
0x69: {  	_ =	shalt  }
0x6a: {  	_ =	shalt  }
0x6b: {  	_ =	shalt  }
0x6c: {  	_ =	shalt  }
0x6d: {  	_ =	shalt  }
0x6e: {  	_ =	shalt  }
0x6f: {  	_ =	shalt  }
0x70: {  	_ =	shalt  }
0x71: {  	_ =	shalt  }
0x72: {  	_ =	shalt  }
0x73: {  	_ =	shalt  }
0x74: {  	_ =	shalt  }
0x75: {  	_ =	shalt  }
0x76: {  	_ =	shalt  }
0x77: {  	_ =	shalt  }
0x78: {  	_ =	shalt  }
0x79: {  	_ =	shalt  }
0x7a: {  	_ =	shalt  }
0x7b: {  	_ =	shalt  }
0x7c: {  	_ =	shalt  }
0x7d: {  	_ =	shalt  }
0x7e: {  	_ =	shalt  }
0x7f: {  	_ =	shalt  }
0x80: {  	_ =	shalt  }
0x81: {  	_ =	shalt  }
0x82: {  	_ =	shalt  }
0x83: {  	_ =	shalt  }
0x84: {  	_ =	shalt  }
0x85: {  	_ =	shalt  }
0x86: {  	_ =	shalt  }
0x87: {  	_ =	shalt  }
.Lfunc_end0:
.L_simem_size_0:
called_computation_lowered:
.L_overlay_start_0:
0x88: {  	s2 =	sld [smem:$0x3FD9]  }
0x89: {  	s3 =	sld [smem:$0x3FFE];
	_ =	sdelay $0x1  }
0x8a: {  	s1 =	srdreg.scid  }
0x8b: {  	s0 =	sand.u32 $0x1, s1  }
0x8c: {  	s17 =	sshll.u32 s0, $0xA;
	s2 =	sadd.s32 s3, s2  }
0x8d: {  	s2 =	sadd.s32 s2, s17  }
0x8e: {  	[smem:$0x3FBE] =	sst s2  }
0x8f: {  	_ = 	snop  }
0x90: {  	(tm) =	ssettm $0x1  }
0x91: {  	s18 =	sld [smem:$0x3FFB];
	_ =	sdelay $0x3  }
0x92: {  	_ =	strace s18  }
0x93: {  	s2 =	sld [smem:$0x3FFC];
	_ =	sdelay $0x3  }
0x94: {  	_ =	strace s2  }
0x95: {  	s2 =	sld [smem:$0x3FFD];
	_ =	sdelay $0x3  }
0x96: {  	_ =	strace s2  }
0x97: {  	_ =	strace $0x8FFFFFFF  }
0x98: {  	s19 =	sld [smem:$0x3FDB];
	_ =	sdelay $0x1  }
0x99: {  	s20 =	simm.s32 $_scs_section_size  }
0x9a: {  	s4 =	simm.s32 $_size__tile_overlayer_lowered;
	s5 =	simm.s32 $_tile_overlayer_lowered  }
0x9b: {  	s6 =	simm.s32 $0x1BFF;
	s21 =	sshll.u32 s5, $0x1;
	s3 =	sadd.s32 s20, s19  }
0x9c: {  	s22 =	simm.s32 $0x0;
	s4 =	sshll.u32 s4, $0x1;
	s5 =	sadd.s32 s21, s3  }
0x9d: {  	[timem:s22], [sflag:s6] =	dma.local [hbm:s5], s4  }
0x9e: {  	_ =	swait.ge [sflag:s6], s4  }
0x9f: {  	s4 =	ssub.s32 $0x0, s4;
	[sflag:s6] =	ssyncset.done $0x0  }
0xa0: {  	[sflag:s6] =	ssyncadd.s32 s4;
	_ =	sdelay $0x1  }
0xa1: {  	s23 =	simm.s32 $0x1B8B  }
0xa2: {  	_ =	swait.ge [sflag:s23], $0x1  }
0xa3: {  	[sflag:s23] =	ssyncset.done $0x0  }
0xa4: {  	[sflag:s23] =	ssyncadd.s32 $0xFFFFFFFF  }
0xa5: {  	s4 =	sld [smem:$0x0]  }
0xa6: {  	s5 =	sand.u32 $0xFFFFFFFE, s1  }
0xa7: {  	p0 =	sne.s32 s1, s5  }
0xa8: {  	s5 =	sshll.u32 @p0 s5, $0xE  }
0xa9: {  	s5 =	sadd.s32 @p0 $0x11B8D, s5;
	s6 =	sshll.u32 @p0 s4, $0x11  }
0xaa: {  	s5 =	sor.u32 @p0 s6, s5  }
0xab: {  	[sflag:s5] =	ssyncadd.remote.s32 @p0 $0x1;
	_ =	sdelay $0x1  }
0xac: {  	s5 =	simm.s32 @p0 $0x1B8D  }
0xad: {  	_ =	swait.eq @p0 [sflag:s5], $0x1  }
0xae: {  	[sflag:s5] =	ssyncadd.s32 @p0 $0xFFFFFFFF  }
0xaf: {  	s6 =	sshll.u32 @!p0 s1, $0xE  }
0xb0: {  	s6 =	sor.u32 @!p0 $0x4000, s6;
	s5 =	simm.s32 @!p0 $0x1B8D  }
0xb1: {  	s4 =	sshll.u32 @!p0 s4, $0x11;
	s6 =	sadd.s32 @!p0 $0x11B8D, s6;
	_ =	swait.eq @!p0 [sflag:s5], $0x1  }
0xb2: {  	s4 =	sor.u32 @!p0 s4, s6;
	[sflag:s5] =	ssyncadd.s32 @!p0 $0xFFFFFFFF  }
0xb3: {  	s25 =	simm.s32 $0x1B8E;
	s24 =	sld [smem:$0x3FFE];
	[sflag:s4] =	ssyncadd.remote.s32 @!p0 $0x1  }
0xb4: {  	s26 =	simm.s32 $execute0_lowered;
	[smem:$0x3FD2] =	sst s25  }
0xb5: {  	s5 =	sshll.u32 s26, $0x1;
	_ =	strace $0x80000049;
	[dreg:$0x1] =	wrdreg $0xFFFFFFFF  }
0xb6: {  	s28 =	simm.s32 $_size_execute0_lowered;
	s3 =	sadd.s32 s3, s5;
	[dreg:$0x0] =	wrdreg $0x0  }
0xb7: {  	s5 =	sshll.u32 s28, $0x1;
	[dreg:$0x2] =	wrdreg s3  }
0xb8: {  	[dreg:$0x3] =	wrdreg s5  }
0xb9: {  	[dreg:$0x4] =	wrdreg $0xC0  }
0xba: {  	_ =	task [dreg:s22], $0x5FFFF  }
0xbb: {  	[dreg:$0x1] =	wrdreg $0xFFFFFFFF  }
0xbc: {  	[dreg:$0x0] =	wrdreg $0x60  }
0xbd: {  	[dreg:$0x2] =	wrdreg s24  }
0xbe: {  	[dreg:$0x3] =	wrdreg $0x9  }
0xbf: {  	_ =	task.clear_ibuf [dreg:s22], $0x4FFFF;
	_ =	strace $0x90000049  }
0xc0: {  	s29 =	simm.s32 $0x9;
	_ =	strace $0x8000004B  }
0xc1: {  	_ =	swait.ge [sflag:s29], $0x1  }
0xc2: {  	[sflag:s29] =	ssyncadd.s32 $0xFFFFFFFF  }
0xc3: {  	_ =	strace $0x9000004B  }
0xc4: {  	_ =	sfence  }
0xc5: {  	s30 =	sld [smem:$0x0];
	_ =	sdelay $0x2  }
0xc6: {  	s31 =	sshll.u32 s1, $0xD;
	s1 =	sshrl.u32 s1, $0x2  }
0xc7: {  	s4 =	sand.u32 $0x4000, s31;
	s1 =	sadd.s32 s1, s30  }
0xc8: {  	s0 =	sor.u32 s4, s0;
	s1 =	sshll.u32 s1, $0x11  }
0xc9: {  	s0 =	sor.u32 s1, s0  }
0xca: {  	s0 =	sadd.s32 $0x8F2B, s0  }
0xcb: {  	[sflag:s0] =	ssyncadd.remote.s32 $0x1  }
0xcc: {  	_ =	sfence.sel $0xFFFF  }
0xcd: {  	[dreg:$0x0] =	wrdreg $0xFFFFFFFF;
	(pc) =	sbr.abs _section_cstart, $3  }
0xce: {  	[dreg:$0x1] =	wrdreg $0xFFFFFFFF  }
0xcf: {  	_ =	task.clear_ibuf [dreg:s22], $0x2FFFF;
	_ =	strace $0x9FFFFFFF  }
0xd0: {  	(tm) =	ssettm $0x7FFFFFFF  }
0xd1: {  	_ =	shalt  }
tec
execute0_lowered:
.L_overlay_start_1:
0x0: {  	(tag) =	ssettag $0x1  }
0x1: {  	s0 =	srdreg.scid  }
0x2: {  	s3 =	sand.u32 $0x1, s0  }
0x3: {  	s4 =	rddreg [dreg:$0x0];
	s0 =	stileid.u32;
	s1 =	sshll.u32 s3, $0x4  }
0x4: {  	s2 =	simm.s32 $0x0;
	s8 =	simm.s32 $0x80;
	s5 =	sor.u32 s0, s1  }
0x5: {  	s9 =	simm.s32 $0x400;
	[smem:$0x7FF] =	sst s2;
	s6 =	sshrl.u32 s5, $0x3  }
0x6: {  	s7 =	sshll.u32 s0, $0x7;
	s3 =	ssub.s32 $0x2, s3;
	s6 =	smul.u32 $0x14000, s6  }
0x7: {  	s1 =	rddreg [dreg:$0x1];
	s7 =	sand.u32 $0x380, s7;
	s5 =	smul.u32 $0x280, s5  }
0x8: {  	_ =	strace $0x8000004A;
	s30 =	sshrl.u32 s3, $0x1;
	s6 =	sor.u32 s7, s6  }
0x9: {  	s31 =	ssub.s32 s3, s30;
	s5 =	sadd.s32 s5, s4;
	s6 =	sshrl.u32 s6, $0x3  }
0xa: {  	s3 =	sadd.s32 $0xA7600, s5;
	s5 =	smax.u32 s31, $0x1;
	s4 =	sadd.s32 s6, s4  }
0xb: {  	v0 =	vimm.f32 $0.0e+00;
	v1 =	vimm.f32 $1.000000000e+00;
	s7 =	simm.s32 $0x1400;
	s6 =	simm.s32 $0x1;
	s4 =	sadd.s32 $0xFEE00, s4  }
.LBB2_1:
0xc: {  	s10 =	simm.s32 $0x40;
	s11 =	simm.s32 $0x0  }
.LBB2_2:
0xd: {  	p0 =	sne.s32 s10, $0x9FC0;
	[tilespmem:s11+$0x1400] =	vst v0;
	s11 =	smov.u32 s10;
	s10 =	sadd.s32 $0x40, s10  }
.Ltmp0:
0xe: {  	(pc) =	sbr.rel @p0 .LBB2_2-.Ltmp0, $2  }
0xf: {  	_ =	sdelay $0x2  }
0x10: {  	s11 =	sshra.s32 s11, $0x2  }
0x11: {  	[tilespmem:s11+$0x1400] =	vst v0;
	s10 =	simm.s32 $0x0  }
0x12: {  	[tilespmem:s10], [sflag:$0x1] =	stream.linear.gather [hbm4b:s3+s10], $0x1400, $0x38;
	[tilespmem:$0x3C00] =	vst v63  }
0x13: {  	_ =	swait.ge [sflag:s6], $0x1400  }
0x14: {  	[sflag:s6] =	ssyncset.done $0x0  }
0x15: {  	[sflag:s6] =	ssyncadd.s32 $0xFFFFEC00  }
.LBB2_4:
0x16: {  	s11 =	sshra.s32 s10, $0x2  }
0x17: {  	v2 =	vld [tilespmem:s11+$0x0];
	_ =	sdelay $0x7  }
0x18: {  	[tilespmem:v2+s7+$0x0] =	vst.idx.add.f32.msk $0xffff, v1  }
0x19: {  	v2 =	vld [tilespmem:s11+$0x10];
	_ =	sdelay $0x7  }
0x1a: {  	[tilespmem:v2+s7+$0x0] =	vst.idx.add.f32.msk $0xffff, v1  }
0x1b: {  	v2 =	vld [tilespmem:s11+$0x20];
	_ =	sdelay $0x7  }
0x1c: {  	[tilespmem:v2+s7+$0x0] =	vst.idx.add.f32.msk $0xffff, v1  }
0x1d: {  	v2 =	vld [tilespmem:s11+$0x30];
	_ =	sdelay $0x7  }
0x1e: {  	[tilespmem:v2+s7+$0x0] =	vst.idx.add.f32.msk $0xffff, v1  }
0x1f: {  	v2 =	vld [tilespmem:s11+$0x40];
	_ =	sdelay $0x7  }
0x20: {  	[tilespmem:v2+s7+$0x0] =	vst.idx.add.f32.msk $0xffff, v1  }
0x21: {  	v2 =	vld [tilespmem:s11+$0x50];
	_ =	sdelay $0x7  }
0x22: {  	[tilespmem:v2+s7+$0x0] =	vst.idx.add.f32.msk $0xffff, v1  }
0x23: {  	v2 =	vld [tilespmem:s11+$0x60];
	_ =	sdelay $0x7  }
0x24: {  	[tilespmem:v2+s7+$0x0] =	vst.idx.add.f32.msk $0xffff, v1  }
0x25: {  	v2 =	vld [tilespmem:s11+$0x70];
	_ =	sdelay $0x2  }
0x26: {  	p0 =	sne.s32 s10, $0x4E00  }
.Ltmp1:
0x27: {  	_ = 	snop;
	(pc) =	sbr.rel @p0 .LBB2_4-.Ltmp1, $2  }
0x28: {  	_ =	sdelay $0x2  }
0x29: {  	s10 =	sadd.s32 $0x200, s10;
	[tilespmem:v2+s7+$0x0] =	vst.idx.add.f32.msk $0xffff, v1  }
0x2a: {  	s2 =	sadd.s32 $0x1, s2  }
0x2b: {  	p0 =	sne.s32 s2, s5  }
.Ltmp2:
0x2c: {  	_ = 	snop;
	(pc) =	sbr.rel @p0 .LBB2_1-.Ltmp2, $4  }
0x2d: {  	[hbm4b:s4+s8] =	stream.strided.scatter [tilespmem:s7], [sflag:$0x1], $0x2800, s9, s8, $0x38;
	[tilespmem:$0x3C00] =	vst v63  }
0x2e: {  	_ =	swait.ge [sflag:s6], $0x2800  }
0x2f: {  	[sflag:s6] =	ssyncset.done $0x0  }
0x30: {  	[sflag:s6] =	ssyncadd.s32 $0xFFFFD800  }
0x31: {  	_ =	sfence.sel $0x180000  }
0x32: {  	[bflag:$0x0] =	sbarrier.arrive $0xFFFF  }
0x33: {  	p0 =	sne.s32 s0, $0x0;
	_ =	strace $0x9000004A  }
0x34: {  	s0 =	sadd.s32 @!p0 $0x100000, s1;
	[bflag:$0x2] =	sbarrier.arrive $0xFFFF  }
0x35: {  	[sflag:s0] =	ssyncadd.tile.s32 @!p0 $0x1;
	_ =	shalt  }
.Lfunc_end2:
_tile_overlayer_lowered:
.L_overlay_start_2:
0x36: {  	(tag) =	ssettag $0x2  }
0x37: {  	s0 =	rddreg [dreg:$0x0];
	s2 =	stileid.u32  }
0x38: {  	s1 =	rddreg [dreg:$0x1];
	p0 =	sne.s32 s2, $0x0  }
0x39: {  	s3 =	rddreg [dreg:$0x2];
	[bflag:$0x3] =	sbarrier.arrive $0xFFFF;
	s2 =	simm.s32 @!p0 $0x1C01  }
0x3a: {  	[timem:s3], [sflag:s2] =	dma.local @!p0 [hbm:s0], s1  }
0x3b: {  	s0 =	simm.s32 @!p0 $0x1  }
0x3c: {  	_ =	swait.ge @!p0 [sflag:s0], s1  }
0x3d: {  	s1 =	ssub.s32 @!p0 $0x0, s1;
	[sflag:s0] =	ssyncset.done @!p0 $0x0  }
0x3e: {  	[sflag:s0] =	ssyncadd.s32 @!p0 s1  }
0x3f: {  	[bflag:$0x3] =	sbarrier.arrive $0xFFFF  }
0x40: {  	_ =	shalt  }

</sc_bundles>
